<compile_context>
chip_gen: v7x
topology: tpu7x:2x2x1
jax: 0.10.2.dev20260603
libtpu: 0.0.44.dev20260713+nightly
codegen_flags: <defaults>
</compile_context>

<pallas_src>
import functools

import jax
import jax.numpy as jnp
from jax import lax
from jax.experimental import pallas as pl
from jax.experimental.pallas import tpu as pltpu
from jax.experimental.pallas import tpu_sc as plsc

_B = 64
_N = 512
_TOT = _B * _N
_NW = 32
_PER_W = _TOT // _NW
_LANES = 16
_TAB = 128
_NCHUNK = _TAB // _LANES
_NUSED = 6
_BB = 8
_LOG2E = 1.4426950408889634



def _sc_gather_body(nums_hbm, na_tab_hbm, z_tab_hbm,
                    na_out_hbm, z_out_hbm,
                    idx_v, na_v, z_v, na_tab_v, z_tab_v):
    wid = lax.axis_index("s") * 2 + lax.axis_index("c")
    base = wid * _PER_W
    pltpu.sync_copy(na_tab_hbm, na_tab_v)
    pltpu.sync_copy(z_tab_hbm, z_tab_v)
    pltpu.sync_copy(nums_hbm.at[pl.ds(base, _PER_W)], idx_v)

    def body(i, carry):
        for u in range(2):
            off = i * jnp.int32(2 * _LANES) + jnp.int32(u * _LANES)
            idx = idx_v[pl.ds(off, _LANES)]
            lo = lax.bitwise_and(idx, jnp.int32(_LANES - 1))
            hi = lax.shift_right_logical(idx, jnp.int32(4))
            acc_na = jnp.zeros((_LANES,), jnp.float32)
            acc_z = jnp.zeros((_LANES,), jnp.float32)
            for k in range(_NUSED):
                ch_na = na_tab_v[pl.ds(k * _LANES, _LANES)]
                ch_z = z_tab_v[pl.ds(k * _LANES, _LANES)]
                gna = ch_na.at[lo].get(mode="promise_in_bounds")
                gz = ch_z.at[lo].get(mode="promise_in_bounds")
                m = hi == jnp.int32(k)
                acc_na = jnp.where(m, gna, acc_na)
                acc_z = jnp.where(m, gz, acc_z)
            na_v[pl.ds(off, _LANES)] = acc_na
            z_v[pl.ds(off, _LANES)] = acc_z
        return carry

    lax.fori_loop(jnp.int32(0), jnp.int32(_PER_W // (2 * _LANES)), body,
                  jnp.int32(0))
    pltpu.sync_copy(na_v, na_out_hbm.at[pl.ds(base, _PER_W)])
    pltpu.sync_copy(z_v, z_out_hbm.at[pl.ds(base, _PER_W)])


@functools.lru_cache(maxsize=1)
def _sc_gather():
    return pl.kernel(
        _sc_gather_body,
        out_type=[jax.ShapeDtypeStruct((_TOT,), jnp.float32)] * 2,
        mesh=plsc.VectorSubcoreMesh(core_axis_name="c", subcore_axis_name="s"),
        scratch_types=[
            pltpu.VMEM((_PER_W,), jnp.int32),
            pltpu.VMEM((_PER_W,), jnp.float32),
            pltpu.VMEM((_PER_W,), jnp.float32),
            pltpu.VMEM((_TAB,), jnp.float32),
            pltpu.VMEM((_TAB,), jnp.float32),
        ],
    )



def _tc_body(na_ref, z_ref, d_ref, o_ref):
    base = pl.program_id(0) * jnp.int32(_BB)
    for t in range(_BB):
        na = na_ref[base + jnp.int32(t)]
        a = na * jnp.float32(-1.0 / _LOG2E)
        z = z_ref[base + jnp.int32(t)]
        d = d_ref[t]
        nac = jnp.reshape(na, (_N, 1))
        zc = jnp.reshape(z, (_N, 1))
        alpha2 = nac * a
        zz = zc * z
        r = lax.rsqrt(d)
        p = d * r
        d15 = d * p
        e = jnp.exp2(alpha2 * d15) * zz * (r * r)
        o_ref[t] = jnp.sum(e, axis=(0, 1), keepdims=True)


def _bzz(b):
    z = jnp.int32(0)
    return (b, z, z)


def _b00(b):
    z = jnp.int32(0)
    return (z, z, z)


def kernel(numbers, d_ij, weight):
    nums = numbers.reshape(-1).astype(jnp.int32)
    w = weight.astype(jnp.float32)
    pad = _TAB - w.shape[0]
    na_tab = jnp.pad(w[:, 0], (0, pad)) * jnp.float32(-_LOG2E)
    z_tab = jnp.pad(w[:, 1], (0, pad))

    na_g, z_g = _sc_gather()(nums, na_tab, z_tab)

    out = pl.pallas_call(
        _tc_body,
        grid=(_B // _BB,),
        in_specs=[
            pl.BlockSpec((_B, 1, _N), _b00),
            pl.BlockSpec((_B, 1, _N), _b00),
            pl.BlockSpec((_BB, _N, _N), _bzz),
        ],
        out_specs=pl.BlockSpec((_BB, 1, 1), _bzz),
        out_shape=jax.ShapeDtypeStruct((_B, 1, 1), jnp.float32),
        compiler_params=pltpu.CompilerParams(
            dimension_semantics=("arbitrary",),
        ),
    )(na_g.reshape(_B, 1, _N), z_g.reshape(_B, 1, _N), d_ij)

    return out.reshape(_B).astype(jnp.float64)

# --- scband reference (transcript-rebuilt; emitter-appended) ---
"""Pipeline reference for scband-srrep-47991964566164 (READ-ONLY COPY).

The authoritative reference and input builder live on the scoring server;
editing this copy changes nothing except your own understanding.
"""

import jax, jax.numpy as jnp
import numpy as np
jax.config.update("jax_enable_x64", True)

_REPA = [1e-06, 2.2097, 1.382907, 0.671797, 0.865377, 1.093544, 1.281954, 1.727773, 2.004253, 2.507078, 3.038727, 0.704472, 0.862629, 0.929219, 0.948165, 1.067197, 1.200803, 1.404155, 1.323756, 0.581529, 0.665588, 0.841357, 0.828638, 1.061627, 0.997051, 1.019783, 1.137174, 1.188538, 1.399197, 1.19923, 1.145056, 1.047536, 1.12948, 1.233641, 1.270088, 1.15358, 1.335287, 0.554032, 0.657904, 0.760144, 0.73952, 0.895357, 0.944064, 1.02824, 1.066144, 1.13138, 1.206869, 1.058886, 1.026434, 0.898148, 1.008192, 0.982673, 0.97341, 0.949181, 1.074785, 0.579919, 0.606485, 1.3112, 0.839861, 0.847281, 0.854701, 0.862121, 0.869541, 0.876961, 0.884381, 0.891801, 0.899221, 0.906641, 0.914061, 0.921481, 0.928901, 0.936321, 0.853744, 0.971873, 0.992643, 1.132106, 1.118216, 1.245003, 1.30459, 1.293034, 1.181865, 0.976397, 0.988859, 1.047194, 1.013118, 0.964652, 0.998641]
_REPB = [0.0, 1.116244, 0.440231, 2.747587, 4.07683, 4.458376, 4.428763, 5.498808, 5.171786, 6.931741, 9.102523, 10.591259, 15.238107, 16.283595, 16.898359, 15.249559, 15.100323, 17.0, 17.153132, 20.831436, 19.840212, 18.676202, 17.08413, 22.352532, 22.873486, 24.160655, 25.983149, 27.169215, 23.396999, 29.0, 31.185765, 33.128619, 35.493164, 36.125762, 32.148852, 35.0, 36.0, 39.653032, 38.924904, 39.0, 36.521516, 40.803132, 41.939347, 43.0, 44.492732, 45.241537, 42.105527, 43.201446, 49.016827, 51.718417, 54.503455, 50.757213, 49.215262, 53.0, 52.500985, 65.029838, 46.532974, 48.337542, 30.638143, 34.130718, 37.623294, 41.11587, 44.608445, 48.101021, 51.593596, 55.086172, 58.578748, 62.071323, 65.563899, 69.056474, 72.54905, 76.041625, 55.222897, 63.743065, 74.0, 75.0, 76.0, 77.0, 78.0, 79.0, 80.0, 81.0, 79.578302, 83.0, 84.0, 85.0, 86.0]

_ANGS_TO_AU = 1.8897161646320724
_AU_TO_EV = 27.211396641308


def _make_weight():
    repa = jnp.asarray(_REPA, dtype=jnp.float32)
    repb = jnp.asarray(_REPB, dtype=jnp.float32)
    repa = jnp.power(repa, 0.5) * (_ANGS_TO_AU ** 0.75)
    repb = repb * ((0.5 * _AU_TO_EV / _ANGS_TO_AU) ** 0.5)
    return jnp.stack([repa, repb], axis=-1)  # [87, 2]


def setup_inputs(seed: int = 0) -> dict:
    key = jax.random.key(seed)
    k1, k2 = jax.random.split(key)
    numbers = jax.random.randint(k1, (64, 512), 0, 87, dtype=jnp.int64)
    d_ij = jax.random.uniform(k2, (64, 512, 512), dtype=jnp.float32, minval=0.5, maxval=6.0)
    return {"numbers": numbers, "d_ij": d_ij, "weight": _make_weight()}


def reference(numbers, d_ij, weight):
    # embedding lookup: params(numbers)
    p = jnp.take(weight, numbers, axis=0)  # [B, N, 2]
    # p_ij = p.unsqueeze(-2) * p.unsqueeze(-3) -> [B, N, N, 2]
    p_ij = p[..., :, None, :] * p[..., None, :, :]
    alpha_ij = p_ij[..., 0]
    zeff_ij = p_ij[..., 1]
    e = jnp.exp(-alpha_ij * jnp.power(d_ij, 1.5)) * zeff_ij / d_ij
    # reduce_sum=True: flatten(-2, -1) then sum(-1, dtype=double)
    e = e.reshape(e.shape[:-2] + (-1,))
    e = jnp.sum(e.astype(jnp.float64), axis=-1)
    return e  # data['e_rep'], shape [B], float64

if __name__ == "__main__":
    import jax
    _d = setup_inputs()
    print(jax.jit(kernel)(*tuple(_d.values())))

</pallas_src>

<mosaic_0001>
#map = affine_map<(d0, d1) -> (0)>
module attributes {stable_mosaic.version = 14 : i64} {
  func.func @_sc_gather_body(%arg0: i32, %arg1: i32, %arg2: memref<32768xi32, #tpu.memory_space<hbm>>, %arg3: memref<128xf32, #tpu.memory_space<hbm>>, %arg4: memref<128xf32, #tpu.memory_space<hbm>>, %arg5: memref<32768xf32, #tpu.memory_space<hbm>>, %arg6: memref<32768xf32, #tpu.memory_space<hbm>>, %arg7: memref<1024xi32, #tpu.memory_space<vmem>>, %arg8: memref<1024xf32, #tpu.memory_space<vmem>>, %arg9: memref<1024xf32, #tpu.memory_space<vmem>>, %arg10: memref<128xf32, #tpu.memory_space<vmem>>, %arg11: memref<128xf32, #tpu.memory_space<vmem>>) attributes {dimension_semantics = [#tpu.dimension_semantics<core_parallel>, #tpu.dimension_semantics<subcore_parallel>], iteration_bounds = array<i64: 2, 16>, scalar_prefetch = 0 : i64, scratch_operands = 5 : i64, tpu.core_type = #tpu.core_type<sc_vector_subcore>, window_params = [{transform_indices = #map}, {transform_indices = #map}, {transform_indices = #map}, {transform_indices = #map}, {transform_indices = #map}]} {
    %mul3A = arith.constant 2 : i32
    %mul3A_0 = arith.muli %arg1, %mul3A : i32
    %add3A = arith.addi %mul3A_0, %arg0 : i32
    %mul3A_1 = arith.constant 1024 : i32
    %mul3A_2 = arith.muli %add3A, %mul3A_1 : i32
    "tpu.region"() ({
      %run_scoped3A = tpu.sem_alloc : memref<!tpu.dma_semaphore, #tpu.memory_space<semaphore_mem>>
      tpu.enqueue_dma source(%arg3 : memref<128xf32, #tpu.memory_space<hbm>>) target(%arg10 : memref<128xf32, #tpu.memory_space<vmem>>) target_semaphore(%run_scoped3A : memref<!tpu.dma_semaphore, #tpu.memory_space<semaphore_mem>>)
      tpu.wait_dma2 semaphore(%run_scoped3A : memref<!tpu.dma_semaphore, #tpu.memory_space<semaphore_mem>>) src(%arg3 : memref<128xf32, #tpu.memory_space<hbm>>) dst(%arg10 : memref<128xf32, #tpu.memory_space<vmem>>)
      tpu.yield
    }) : () -> ()
    "tpu.region"() ({
      %run_scoped3A = tpu.sem_alloc : memref<!tpu.dma_semaphore, #tpu.memory_space<semaphore_mem>>
      tpu.enqueue_dma source(%arg4 : memref<128xf32, #tpu.memory_space<hbm>>) target(%arg11 : memref<128xf32, #tpu.memory_space<vmem>>) target_semaphore(%run_scoped3A : memref<!tpu.dma_semaphore, #tpu.memory_space<semaphore_mem>>)
      tpu.wait_dma2 semaphore(%run_scoped3A : memref<!tpu.dma_semaphore, #tpu.memory_space<semaphore_mem>>) src(%arg4 : memref<128xf32, #tpu.memory_space<hbm>>) dst(%arg11 : memref<128xf32, #tpu.memory_space<vmem>>)
      tpu.yield
    }) : () -> ()
    "tpu.region"() ({
      %run_scoped3A = tpu.sem_alloc : memref<!tpu.dma_semaphore, #tpu.memory_space<semaphore_mem>>
      %dma_start3A = tpu.memref_slice %arg2[%mul3A_2] : memref<32768xi32, #tpu.memory_space<hbm>> -> memref<1024xi32, #tpu.memory_space<hbm>>
      %dma_start3A_13 = tpu.memref_slice %arg2[%mul3A_2] : memref<32768xi32, #tpu.memory_space<hbm>> -> memref<1024xi32, #tpu.memory_space<hbm>>
      tpu.enqueue_dma source(%dma_start3A_13 : memref<1024xi32, #tpu.memory_space<hbm>>) target(%arg7 : memref<1024xi32, #tpu.memory_space<vmem>>) target_semaphore(%run_scoped3A : memref<!tpu.dma_semaphore, #tpu.memory_space<semaphore_mem>>)
      %dma_wait3A = tpu.memref_slice %arg2[%mul3A_2] : memref<32768xi32, #tpu.memory_space<hbm>> -> memref<1024xi32, #tpu.memory_space<hbm>>
      %dma_wait3A_14 = tpu.memref_slice %arg2[%mul3A_2] : memref<32768xi32, #tpu.memory_space<hbm>> -> memref<1024xi32, #tpu.memory_space<hbm>>
      tpu.wait_dma2 semaphore(%run_scoped3A : memref<!tpu.dma_semaphore, #tpu.memory_space<semaphore_mem>>) src(%dma_wait3A_14 : memref<1024xi32, #tpu.memory_space<hbm>>) dst(%arg7 : memref<1024xi32, #tpu.memory_space<vmem>>)
      tpu.yield
    }) : () -> ()
    %while3A = arith.constant 0 : i32
    %while3A_3 = arith.constant 0 : i32
    %while3A_4 = arith.constant 32 : i32
    %while3A_5 = arith.subi %while3A_4, %while3A_3 : i32
    %while3A_6 = arith.addi %while3A_3, %while3A_5 : i32
    %while3A_7 = arith.constant 1 : i32
    %while3A_8 = arith.divsi %while3A_5, %while3A_7 : i32
    %while3A_9 = arith.muli %while3A_8, %while3A_7 : i32
    %while3A_10 = arith.addi %while3A_3, %while3A_9 : i32
    %while3A_11 = arith.constant 1 : i32
    scf.for %while3A_13 = %while3A_3 to %while3A_10 step %while3A_11  : i32 {
      %mul3A_14 = arith.constant 32 : i32
      %mul3A_15 = arith.muli %while3A_13, %mul3A_14 : i32
      %add3A_16 = arith.constant 0 : i32
      %add3A_17 = arith.addi %mul3A_15, %add3A_16 : i32
      %get3A = arith.index_cast %add3A_17 : i32 to index
      %get3A_18 = tpu.vector_load %arg7[%get3A] {strides = array<i32>} : memref<1024xi32, #tpu.memory_space<vmem>>, vector<16xi32>,
      %get3A_19 = vector.shape_cast %get3A_18 : vector<16xi32> to vector<16xi32>
      %and3A = arith.constant 15 : i32
      %and3A_20 = vector.broadcast %and3A : i32 to vector<16xi32>
      %and3A_21 = arith.andi %get3A_19, %and3A_20 : vector<16xi32>
      %shift_right_logical3A = arith.constant 4 : i32
      %shift_right_logical3A_22 = vector.broadcast %shift_right_logical3A : i32 to vector<16xi32>
      %shift_right_logical3A_23 = arith.shrui %get3A_19, %shift_right_logical3A_22 : vector<16xi32>
      %broadcast_in_dim3A = arith.constant 0.000000e+00 : f32
      %broadcast_in_dim3A_24 = vector.broadcast %broadcast_in_dim3A : f32 to vector<16xf32>
      %broadcast_in_dim3A_25 = arith.constant 0.000000e+00 : f32
      %broadcast_in_dim3A_26 = vector.broadcast %broadcast_in_dim3A_25 : f32 to vector<16xf32>
      %get3A_27 = arith.constant 0 : index
      %get3A_28 = tpu.vector_load %arg10[%get3A_27] {strides = array<i32>} : memref<128xf32, #tpu.memory_space<vmem>>, vector<16xf32>,
      %get3A_29 = vector.shape_cast %get3A_28 : vector<16xf32> to vector<16xf32>
      %get3A_30 = arith.constant 0 : index
      %get3A_31 = tpu.vector_load %arg11[%get3A_30] {strides = array<i32>} : memref<128xf32, #tpu.memory_space<vmem>>, vector<16xf32>,
      %get3A_32 = vector.shape_cast %get3A_31 : vector<16xf32> to vector<16xf32>
      %lt3A = arith.constant 0 : i32
      %lt3A_33 = vector.broadcast %lt3A : i32 to vector<16xi32>
      %lt3A_34 = arith.cmpi slt, %and3A_21, %lt3A_33 : vector<16xi32>
      %add3A_35 = arith.constant 16 : i32
      %add3A_36 = vector.broadcast %add3A_35 : i32 to vector<16xi32>
      %add3A_37 = arith.addi %and3A_21, %add3A_36 : vector<16xi32>
      %select_n3A = arith.select %lt3A_34, %add3A_37, %and3A_21 : vector<16xi1>, vector<16xi32>
      %broadcast_in_dim3A_38 = vector.shape_cast %select_n3A : vector<16xi32> to vector<16x1xi32>
      %gather3A = vector.shape_cast %broadcast_in_dim3A_38 : vector<16x1xi32> to vector<16xi32>
      %gather3A_39 = tpu.dynamic_gather %get3A_29[%gather3A] in [0] : vector<16xf32>, vector<16xi32> -> vector<16xf32>
      %lt3A_40 = arith.constant 0 : i32
      %lt3A_41 = vector.broadcast %lt3A_40 : i32 to vector<16xi32>
      %lt3A_42 = arith.cmpi slt, %and3A_21, %lt3A_41 : vector<16xi32>
      %add3A_43 = arith.constant 16 : i32
      %add3A_44 = vector.broadcast %add3A_43 : i32 to vector<16xi32>
      %add3A_45 = arith.addi %and3A_21, %add3A_44 : vector<16xi32>
      %select_n3A_46 = arith.select %lt3A_42, %add3A_45, %and3A_21 : vector<16xi1>, vector<16xi32>
      %broadcast_in_dim3A_47 = vector.shape_cast %select_n3A_46 : vector<16xi32> to vector<16x1xi32>
      %gather3A_48 = vector.shape_cast %broadcast_in_dim3A_47 : vector<16x1xi32> to vector<16xi32>
      %gather3A_49 = tpu.dynamic_gather %get3A_32[%gather3A_48] in [0] : vector<16xf32>, vector<16xi32> -> vector<16xf32>
      %eq3A = arith.constant 0 : i32
      %eq3A_50 = vector.broadcast %eq3A : i32 to vector<16xi32>
      %eq3A_51 = arith.cmpi eq, %shift_right_logical3A_23, %eq3A_50 : vector<16xi32>
      %select_n3A_52 = arith.select %eq3A_51, %gather3A_39, %broadcast_in_dim3A_24 : vector<16xi1>, vector<16xf32>
      %select_n3A_53 = arith.select %eq3A_51, %gather3A_49, %broadcast_in_dim3A_26 : vector<16xi1>, vector<16xf32>
      %get3A_54 = arith.constant 16 : index
      %get3A_55 = tpu.vector_load %arg10[%get3A_54] {strides = array<i32>} : memref<128xf32, #tpu.memory_space<vmem>>, vector<16xf32>,
      %get3A_56 = vector.shape_cast %get3A_55 : vector<16xf32> to vector<16xf32>
      %get3A_57 = arith.constant 16 : index
      %get3A_58 = tpu.vector_load %arg11[%get3A_57] {strides = array<i32>} : memref<128xf32, #tpu.memory_space<vmem>>, vector<16xf32>,
      %get3A_59 = vector.shape_cast %get3A_58 : vector<16xf32> to vector<16xf32>
      %lt3A_60 = arith.constant 0 : i32
      %lt3A_61 = vector.broadcast %lt3A_60 : i32 to vector<16xi32>
      %lt3A_62 = arith.cmpi slt, %and3A_21, %lt3A_61 : vector<16xi32>
      %add3A_63 = arith.constant 16 : i32
      %add3A_64 = vector.broadcast %add3A_63 : i32 to vector<16xi32>
      %add3A_65 = arith.addi %and3A_21, %add3A_64 : vector<16xi32>
      %select_n3A_66 = arith.select %lt3A_62, %add3A_65, %and3A_21 : vector<16xi1>, vector<16xi32>
      %broadcast_in_dim3A_67 = vector.shape_cast %select_n3A_66 : vector<16xi32> to vector<16x1xi32>
      %gather3A_68 = vector.shape_cast %broadcast_in_dim3A_67 : vector<16x1xi32> to vector<16xi32>
      %gather3A_69 = tpu.dynamic_gather %get3A_56[%gather3A_68] in [0] : vector<16xf32>, vector<16xi32> -> vector<16xf32>
      %lt3A_70 = arith.constant 0 : i32
      %lt3A_71 = vector.broadcast %lt3A_70 : i32 to vector<16xi32>
      %lt3A_72 = arith.cmpi slt, %and3A_21, %lt3A_71 : vector<16xi32>
      %add3A_73 = arith.constant 16 : i32
      %add3A_74 = vector.broadcast %add3A_73 : i32 to vector<16xi32>
      %add3A_75 = arith.addi %and3A_21, %add3A_74 : vector<16xi32>
      %select_n3A_76 = arith.select %lt3A_72, %add3A_75, %and3A_21 : vector<16xi1>, vector<16xi32>
      %broadcast_in_dim3A_77 = vector.shape_cast %select_n3A_76 : vector<16xi32> to vector<16x1xi32>
      %gather3A_78 = vector.shape_cast %broadcast_in_dim3A_77 : vector<16x1xi32> to vector<16xi32>
      %gather3A_79 = tpu.dynamic_gather %get3A_59[%gather3A_78] in [0] : vector<16xf32>, vector<16xi32> -> vector<16xf32>
      %eq3A_80 = arith.constant 1 : i32
      %eq3A_81 = vector.broadcast %eq3A_80 : i32 to vector<16xi32>
      %eq3A_82 = arith.cmpi eq, %shift_right_logical3A_23, %eq3A_81 : vector<16xi32>
      %select_n3A_83 = arith.select %eq3A_82, %gather3A_69, %select_n3A_52 : vector<16xi1>, vector<16xf32>
      %select_n3A_84 = arith.select %eq3A_82, %gather3A_79, %select_n3A_53 : vector<16xi1>, vector<16xf32>
      %get3A_85 = arith.constant 32 : index
      %get3A_86 = tpu.vector_load %arg10[%get3A_85] {strides = array<i32>} : memref<128xf32, #tpu.memory_space<vmem>>, vector<16xf32>,
      %get3A_87 = vector.shape_cast %get3A_86 : vector<16xf32> to vector<16xf32>
      %get3A_88 = arith.constant 32 : index
      %get3A_89 = tpu.vector_load %arg11[%get3A_88] {strides = array<i32>} : memref<128xf32, #tpu.memory_space<vmem>>, vector<16xf32>,
      %get3A_90 = vector.shape_cast %get3A_89 : vector<16xf32> to vector<16xf32>
      %lt3A_91 = arith.constant 0 : i32
      %lt3A_92 = vector.broadcast %lt3A_91 : i32 to vector<16xi32>
      %lt3A_93 = arith.cmpi slt, %and3A_21, %lt3A_92 : vector<16xi32>
      %add3A_94 = arith.constant 16 : i32
      %add3A_95 = vector.broadcast %add3A_94 : i32 to vector<16xi32>
      %add3A_96 = arith.addi %and3A_21, %add3A_95 : vector<16xi32>
      %select_n3A_97 = arith.select %lt3A_93, %add3A_96, %and3A_21 : vector<16xi1>, vector<16xi32>
      %broadcast_in_dim3A_98 = vector.shape_cast %select_n3A_97 : vector<16xi32> to vector<16x1xi32>
      %gather3A_99 = vector.shape_cast %broadcast_in_dim3A_98 : vector<16x1xi32> to vector<16xi32>
      %gather3A_100 = tpu.dynamic_gather %get3A_87[%gather3A_99] in [0] : vector<16xf32>, vector<16xi32> -> vector<16xf32>
      %lt3A_101 = arith.constant 0 : i32
      %lt3A_102 = vector.broadcast %lt3A_101 : i32 to vector<16xi32>
      %lt3A_103 = arith.cmpi slt, %and3A_21, %lt3A_102 : vector<16xi32>
      %add3A_104 = arith.constant 16 : i32
      %add3A_105 = vector.broadcast %add3A_104 : i32 to vector<16xi32>
      %add3A_106 = arith.addi %and3A_21, %add3A_105 : vector<16xi32>
      %select_n3A_107 = arith.select %lt3A_103, %add3A_106, %and3A_21 : vector<16xi1>, vector<16xi32>
      %broadcast_in_dim3A_108 = vector.shape_cast %select_n3A_107 : vector<16xi32> to vector<16x1xi32>
      %gather3A_109 = vector.shape_cast %broadcast_in_dim3A_108 : vector<16x1xi32> to vector<16xi32>
      %gather3A_110 = tpu.dynamic_gather %get3A_90[%gather3A_109] in [0] : vector<16xf32>, vector<16xi32> -> vector<16xf32>
      %eq3A_111 = arith.constant 2 : i32
      %eq3A_112 = vector.broadcast %eq3A_111 : i32 to vector<16xi32>
      %eq3A_113 = arith.cmpi eq, %shift_right_logical3A_23, %eq3A_112 : vector<16xi32>
      %select_n3A_114 = arith.select %eq3A_113, %gather3A_100, %select_n3A_83 : vector<16xi1>, vector<16xf32>
      %select_n3A_115 = arith.select %eq3A_113, %gather3A_110, %select_n3A_84 : vector<16xi1>, vector<16xf32>
      %get3A_116 = arith.constant 48 : index
      %get3A_117 = tpu.vector_load %arg10[%get3A_116] {strides = array<i32>} : memref<128xf32, #tpu.memory_space<vmem>>, vector<16xf32>,
      %get3A_118 = vector.shape_cast %get3A_117 : vector<16xf32> to vector<16xf32>
      %get3A_119 = arith.constant 48 : index
      %get3A_120 = tpu.vector_load %arg11[%get3A_119] {strides = array<i32>} : memref<128xf32, #tpu.memory_space<vmem>>, vector<16xf32>,
      %get3A_121 = vector.shape_cast %get3A_120 : vector<16xf32> to vector<16xf32>
      %lt3A_122 = arith.constant 0 : i32
      %lt3A_123 = vector.broadcast %lt3A_122 : i32 to vector<16xi32>
      %lt3A_124 = arith.cmpi slt, %and3A_21, %lt3A_123 : vector<16xi32>
      %add3A_125 = arith.constant 16 : i32
      %add3A_126 = vector.broadcast %add3A_125 : i32 to vector<16xi32>
      %add3A_127 = arith.addi %and3A_21, %add3A_126 : vector<16xi32>
      %select_n3A_128 = arith.select %lt3A_124, %add3A_127, %and3A_21 : vector<16xi1>, vector<16xi32>
      %broadcast_in_dim3A_129 = vector.shape_cast %select_n3A_128 : vector<16xi32> to vector<16x1xi32>
      %gather3A_130 = vector.shape_cast %broadcast_in_dim3A_129 : vector<16x1xi32> to vector<16xi32>
      %gather3A_131 = tpu.dynamic_gather %get3A_118[%gather3A_130] in [0] : vector<16xf32>, vector<16xi32> -> vector<16xf32>
      %lt3A_132 = arith.constant 0 : i32
      %lt3A_133 = vector.broadcast %lt3A_132 : i32 to vector<16xi32>
      %lt3A_134 = arith.cmpi slt, %and3A_21, %lt3A_133 : vector<16xi32>
      %add3A_135 = arith.constant 16 : i32
      %add3A_136 = vector.broadcast %add3A_135 : i32 to vector<16xi32>
      %add3A_137 = arith.addi %and3A_21, %add3A_136 : vector<16xi32>
      %select_n3A_138 = arith.select %lt3A_134, %add3A_137, %and3A_21 : vector<16xi1>, vector<16xi32>
      %broadcast_in_dim3A_139 = vector.shape_cast %select_n3A_138 : vector<16xi32> to vector<16x1xi32>
      %gather3A_140 = vector.shape_cast %broadcast_in_dim3A_139 : vector<16x1xi32> to vector<16xi32>
      %gather3A_141 = tpu.dynamic_gather %get3A_121[%gather3A_140] in [0] : vector<16xf32>, vector<16xi32> -> vector<16xf32>
      %eq3A_142 = arith.constant 3 : i32
      %eq3A_143 = vector.broadcast %eq3A_142 : i32 to vector<16xi32>
      %eq3A_144 = arith.cmpi eq, %shift_right_logical3A_23, %eq3A_143 : vector<16xi32>
      %select_n3A_145 = arith.select %eq3A_144, %gather3A_131, %select_n3A_114 : vector<16xi1>, vector<16xf32>
      %select_n3A_146 = arith.select %eq3A_144, %gather3A_141, %select_n3A_115 : vector<16xi1>, vector<16xf32>
      %get3A_147 = arith.constant 64 : index
      %get3A_148 = tpu.vector_load %arg10[%get3A_147] {strides = array<i32>} : memref<128xf32, #tpu.memory_space<vmem>>, vector<16xf32>,
      %get3A_149 = vector.shape_cast %get3A_148 : vector<16xf32> to vector<16xf32>
      %get3A_150 = arith.constant 64 : index
      %get3A_151 = tpu.vector_load %arg11[%get3A_150] {strides = array<i32>} : memref<128xf32, #tpu.memory_space<vmem>>, vector<16xf32>,
      %get3A_152 = vector.shape_cast %get3A_151 : vector<16xf32> to vector<16xf32>
      %lt3A_153 = arith.constant 0 : i32
      %lt3A_154 = vector.broadcast %lt3A_153 : i32 to vector<16xi32>
      %lt3A_155 = arith.cmpi slt, %and3A_21, %lt3A_154 : vector<16xi32>
      %add3A_156 = arith.constant 16 : i32
      %add3A_157 = vector.broadcast %add3A_156 : i32 to vector<16xi32>
      %add3A_158 = arith.addi %and3A_21, %add3A_157 : vector<16xi32>
      %select_n3A_159 = arith.select %lt3A_155, %add3A_158, %and3A_21 : vector<16xi1>, vector<16xi32>
      %broadcast_in_dim3A_160 = vector.shape_cast %select_n3A_159 : vector<16xi32> to vector<16x1xi32>
      %gather3A_161 = vector.shape_cast %broadcast_in_dim3A_160 : vector<16x1xi32> to vector<16xi32>
      %gather3A_162 = tpu.dynamic_gather %get3A_149[%gather3A_161] in [0] : vector<16xf32>, vector<16xi32> -> vector<16xf32>
      %lt3A_163 = arith.constant 0 : i32
      %lt3A_164 = vector.broadcast %lt3A_163 : i32 to vector<16xi32>
      %lt3A_165 = arith.cmpi slt, %and3A_21, %lt3A_164 : vector<16xi32>
      %add3A_166 = arith.constant 16 : i32
      %add3A_167 = vector.broadcast %add3A_166 : i32 to vector<16xi32>
      %add3A_168 = arith.addi %and3A_21, %add3A_167 : vector<16xi32>
      %select_n3A_169 = arith.select %lt3A_165, %add3A_168, %and3A_21 : vector<16xi1>, vector<16xi32>
      %broadcast_in_dim3A_170 = vector.shape_cast %select_n3A_169 : vector<16xi32> to vector<16x1xi32>
      %gather3A_171 = vector.shape_cast %broadcast_in_dim3A_170 : vector<16x1xi32> to vector<16xi32>
      %gather3A_172 = tpu.dynamic_gather %get3A_152[%gather3A_171] in [0] : vector<16xf32>, vector<16xi32> -> vector<16xf32>
      %eq3A_173 = arith.constant 4 : i32
      %eq3A_174 = vector.broadcast %eq3A_173 : i32 to vector<16xi32>
      %eq3A_175 = arith.cmpi eq, %shift_right_logical3A_23, %eq3A_174 : vector<16xi32>
      %select_n3A_176 = arith.select %eq3A_175, %gather3A_162, %select_n3A_145 : vector<16xi1>, vector<16xf32>
      %select_n3A_177 = arith.select %eq3A_175, %gather3A_172, %select_n3A_146 : vector<16xi1>, vector<16xf32>
      %get3A_178 = arith.constant 80 : index
      %get3A_179 = tpu.vector_load %arg10[%get3A_178] {strides = array<i32>} : memref<128xf32, #tpu.memory_space<vmem>>, vector<16xf32>,
      %get3A_180 = vector.shape_cast %get3A_179 : vector<16xf32> to vector<16xf32>
      %get3A_181 = arith.constant 80 : index
      %get3A_182 = tpu.vector_load %arg11[%get3A_181] {strides = array<i32>} : memref<128xf32, #tpu.memory_space<vmem>>, vector<16xf32>,
      %get3A_183 = vector.shape_cast %get3A_182 : vector<16xf32> to vector<16xf32>
      %lt3A_184 = arith.constant 0 : i32
      %lt3A_185 = vector.broadcast %lt3A_184 : i32 to vector<16xi32>
      %lt3A_186 = arith.cmpi slt, %and3A_21, %lt3A_185 : vector<16xi32>
      %add3A_187 = arith.constant 16 : i32
      %add3A_188 = vector.broadcast %add3A_187 : i32 to vector<16xi32>
      %add3A_189 = arith.addi %and3A_21, %add3A_188 : vector<16xi32>
      %select_n3A_190 = arith.select %lt3A_186, %add3A_189, %and3A_21 : vector<16xi1>, vector<16xi32>
      %broadcast_in_dim3A_191 = vector.shape_cast %select_n3A_190 : vector<16xi32> to vector<16x1xi32>
      %gather3A_192 = vector.shape_cast %broadcast_in_dim3A_191 : vector<16x1xi32> to vector<16xi32>
      %gather3A_193 = tpu.dynamic_gather %get3A_180[%gather3A_192] in [0] : vector<16xf32>, vector<16xi32> -> vector<16xf32>
      %lt3A_194 = arith.constant 0 : i32
      %lt3A_195 = vector.broadcast %lt3A_194 : i32 to vector<16xi32>
      %lt3A_196 = arith.cmpi slt, %and3A_21, %lt3A_195 : vector<16xi32>
      %add3A_197 = arith.constant 16 : i32
      %add3A_198 = vector.broadcast %add3A_197 : i32 to vector<16xi32>
      %add3A_199 = arith.addi %and3A_21, %add3A_198 : vector<16xi32>
      %select_n3A_200 = arith.select %lt3A_196, %add3A_199, %and3A_21 : vector<16xi1>, vector<16xi32>
      %broadcast_in_dim3A_201 = vector.shape_cast %select_n3A_200 : vector<16xi32> to vector<16x1xi32>
      %gather3A_202 = vector.shape_cast %broadcast_in_dim3A_201 : vector<16x1xi32> to vector<16xi32>
      %gather3A_203 = tpu.dynamic_gather %get3A_183[%gather3A_202] in [0] : vector<16xf32>, vector<16xi32> -> vector<16xf32>
      %eq3A_204 = arith.constant 5 : i32
      %eq3A_205 = vector.broadcast %eq3A_204 : i32 to vector<16xi32>
      %eq3A_206 = arith.cmpi eq, %shift_right_logical3A_23, %eq3A_205 : vector<16xi32>
      %select_n3A_207 = arith.select %eq3A_206, %gather3A_193, %select_n3A_176 : vector<16xi1>, vector<16xf32>
      %select_n3A_208 = arith.select %eq3A_206, %gather3A_203, %select_n3A_177 : vector<16xi1>, vector<16xf32>
      %swap3A = arith.index_cast %add3A_17 : i32 to index
      %swap3A_209 = tpu.vector_load %arg8[%swap3A] {strides = array<i32>} : memref<1024xf32, #tpu.memory_space<vmem>>, vector<16xf32>,
      %swap3A_210 = vector.shape_cast %swap3A_209 : vector<16xf32> to vector<16xf32>
      %swap3A_211 = vector.shape_cast %select_n3A_207 : vector<16xf32> to vector<16xf32>
      tpu.vector_store %arg8[%swap3A], %swap3A_211 {strides = array<i32>} : memref<1024xf32, #tpu.memory_space<vmem>>, vector<16xf32>,
      %swap3A_212 = arith.index_cast %add3A_17 : i32 to index
      %swap3A_213 = tpu.vector_load %arg9[%swap3A_212] {strides = array<i32>} : memref<1024xf32, #tpu.memory_space<vmem>>, vector<16xf32>,
      %swap3A_214 = vector.shape_cast %swap3A_213 : vector<16xf32> to vector<16xf32>
      %swap3A_215 = vector.shape_cast %select_n3A_208 : vector<16xf32> to vector<16xf32>
      tpu.vector_store %arg9[%swap3A_212], %swap3A_215 {strides = array<i32>} : memref<1024xf32, #tpu.memory_space<vmem>>, vector<16xf32>,
      %mul3A_216 = arith.constant 32 : i32
      %mul3A_217 = arith.muli %while3A_13, %mul3A_216 : i32
      %add3A_218 = arith.constant 16 : i32
      %add3A_219 = arith.addi %mul3A_217, %add3A_218 : i32
      %get3A_220 = arith.index_cast %add3A_219 : i32 to index
      %get3A_221 = tpu.vector_load %arg7[%get3A_220] {strides = array<i32>} : memref<1024xi32, #tpu.memory_space<vmem>>, vector<16xi32>,
      %get3A_222 = vector.shape_cast %get3A_221 : vector<16xi32> to vector<16xi32>
      %and3A_223 = arith.constant 15 : i32
      %and3A_224 = vector.broadcast %and3A_223 : i32 to vector<16xi32>
      %and3A_225 = arith.andi %get3A_222, %and3A_224 : vector<16xi32>
      %shift_right_logical3A_226 = arith.constant 4 : i32
      %shift_right_logical3A_227 = vector.broadcast %shift_right_logical3A_226 : i32 to vector<16xi32>
      %shift_right_logical3A_228 = arith.shrui %get3A_222, %shift_right_logical3A_227 : vector<16xi32>
      %broadcast_in_dim3A_229 = arith.constant 0.000000e+00 : f32
      %broadcast_in_dim3A_230 = vector.broadcast %broadcast_in_dim3A_229 : f32 to vector<16xf32>
      %broadcast_in_dim3A_231 = arith.constant 0.000000e+00 : f32
      %broadcast_in_dim3A_232 = vector.broadcast %broadcast_in_dim3A_231 : f32 to vector<16xf32>
      %get3A_233 = arith.constant 0 : index
      %get3A_234 = tpu.vector_load %arg10[%get3A_233] {strides = array<i32>} : memref<128xf32, #tpu.memory_space<vmem>>, vector<16xf32>,
      %get3A_235 = vector.shape_cast %get3A_234 : vector<16xf32> to vector<16xf32>
      %get3A_236 = arith.constant 0 : index
      %get3A_237 = tpu.vector_load %arg11[%get3A_236] {strides = array<i32>} : memref<128xf32, #tpu.memory_space<vmem>>, vector<16xf32>,
      %get3A_238 = vector.shape_cast %get3A_237 : vector<16xf32> to vector<16xf32>
      %lt3A_239 = arith.constant 0 : i32
      %lt3A_240 = vector.broadcast %lt3A_239 : i32 to vector<16xi32>
      %lt3A_241 = arith.cmpi slt, %and3A_225, %lt3A_240 : vector<16xi32>
      %add3A_242 = arith.constant 16 : i32
      %add3A_243 = vector.broadcast %add3A_242 : i32 to vector<16xi32>
      %add3A_244 = arith.addi %and3A_225, %add3A_243 : vector<16xi32>
      %select_n3A_245 = arith.select %lt3A_241, %add3A_244, %and3A_225 : vector<16xi1>, vector<16xi32>
      %broadcast_in_dim3A_246 = vector.shape_cast %select_n3A_245 : vector<16xi32> to vector<16x1xi32>
      %gather3A_247 = vector.shape_cast %broadcast_in_dim3A_246 : vector<16x1xi32> to vector<16xi32>
      %gather3A_248 = tpu.dynamic_gather %get3A_235[%gather3A_247] in [0] : vector<16xf32>, vector<16xi32> -> vector<16xf32>
      %lt3A_249 = arith.constant 0 : i32
      %lt3A_250 = vector.broadcast %lt3A_249 : i32 to vector<16xi32>
      %lt3A_251 = arith.cmpi slt, %and3A_225, %lt3A_250 : vector<16xi32>
      %add3A_252 = arith.constant 16 : i32
      %add3A_253 = vector.broadcast %add3A_252 : i32 to vector<16xi32>
      %add3A_254 = arith.addi %and3A_225, %add3A_253 : vector<16xi32>
      %select_n3A_255 = arith.select %lt3A_251, %add3A_254, %and3A_225 : vector<16xi1>, vector<16xi32>
      %broadcast_in_dim3A_256 = vector.shape_cast %select_n3A_255 : vector<16xi32> to vector<16x1xi32>
      %gather3A_257 = vector.shape_cast %broadcast_in_dim3A_256 : vector<16x1xi32> to vector<16xi32>
      %gather3A_258 = tpu.dynamic_gather %get3A_238[%gather3A_257] in [0] : vector<16xf32>, vector<16xi32> -> vector<16xf32>
      %eq3A_259 = arith.constant 0 : i32
      %eq3A_260 = vector.broadcast %eq3A_259 : i32 to vector<16xi32>
      %eq3A_261 = arith.cmpi eq, %shift_right_logical3A_228, %eq3A_260 : vector<16xi32>
      %select_n3A_262 = arith.select %eq3A_261, %gather3A_248, %broadcast_in_dim3A_230 : vector<16xi1>, vector<16xf32>
      %select_n3A_263 = arith.select %eq3A_261, %gather3A_258, %broadcast_in_dim3A_232 : vector<16xi1>, vector<16xf32>
      %get3A_264 = arith.constant 16 : index
      %get3A_265 = tpu.vector_load %arg10[%get3A_264] {strides = array<i32>} : memref<128xf32, #tpu.memory_space<vmem>>, vector<16xf32>,
      %get3A_266 = vector.shape_cast %get3A_265 : vector<16xf32> to vector<16xf32>
      %get3A_267 = arith.constant 16 : index
      %get3A_268 = tpu.vector_load %arg11[%get3A_267] {strides = array<i32>} : memref<128xf32, #tpu.memory_space<vmem>>, vector<16xf32>,
      %get3A_269 = vector.shape_cast %get3A_268 : vector<16xf32> to vector<16xf32>
      %lt3A_270 = arith.constant 0 : i32
      %lt3A_271 = vector.broadcast %lt3A_270 : i32 to vector<16xi32>
      %lt3A_272 = arith.cmpi slt, %and3A_225, %lt3A_271 : vector<16xi32>
      %add3A_273 = arith.constant 16 : i32
      %add3A_274 = vector.broadcast %add3A_273 : i32 to vector<16xi32>
      %add3A_275 = arith.addi %and3A_225, %add3A_274 : vector<16xi32>
      %select_n3A_276 = arith.select %lt3A_272, %add3A_275, %and3A_225 : vector<16xi1>, vector<16xi32>
      %broadcast_in_dim3A_277 = vector.shape_cast %select_n3A_276 : vector<16xi32> to vector<16x1xi32>
      %gather3A_278 = vector.shape_cast %broadcast_in_dim3A_277 : vector<16x1xi32> to vector<16xi32>
      %gather3A_279 = tpu.dynamic_gather %get3A_266[%gather3A_278] in [0] : vector<16xf32>, vector<16xi32> -> vector<16xf32>
      %lt3A_280 = arith.constant 0 : i32
      %lt3A_281 = vector.broadcast %lt3A_280 : i32 to vector<16xi32>
      %lt3A_282 = arith.cmpi slt, %and3A_225, %lt3A_281 : vector<16xi32>
      %add3A_283 = arith.constant 16 : i32
      %add3A_284 = vector.broadcast %add3A_283 : i32 to vector<16xi32>
      %add3A_285 = arith.addi %and3A_225, %add3A_284 : vector<16xi32>
      %select_n3A_286 = arith.select %lt3A_282, %add3A_285, %and3A_225 : vector<16xi1>, vector<16xi32>
      %broadcast_in_dim3A_287 = vector.shape_cast %select_n3A_286 : vector<16xi32> to vector<16x1xi32>
      %gather3A_288 = vector.shape_cast %broadcast_in_dim3A_287 : vector<16x1xi32> to vector<16xi32>
      %gather3A_289 = tpu.dynamic_gather %get3A_269[%gather3A_288] in [0] : vector<16xf32>, vector<16xi32> -> vector<16xf32>
      %eq3A_290 = arith.constant 1 : i32
      %eq3A_291 = vector.broadcast %eq3A_290 : i32 to vector<16xi32>
      %eq3A_292 = arith.cmpi eq, %shift_right_logical3A_228, %eq3A_291 : vector<16xi32>
      %select_n3A_293 = arith.select %eq3A_292, %gather3A_279, %select_n3A_262 : vector<16xi1>, vector<16xf32>
      %select_n3A_294 = arith.select %eq3A_292, %gather3A_289, %select_n3A_263 : vector<16xi1>, vector<16xf32>
      %get3A_295 = arith.constant 32 : index
      %get3A_296 = tpu.vector_load %arg10[%get3A_295] {strides = array<i32>} : memref<128xf32, #tpu.memory_space<vmem>>, vector<16xf32>,
      %get3A_297 = vector.shape_cast %get3A_296 : vector<16xf32> to vector<16xf32>
      %get3A_298 = arith.constant 32 : index
      %get3A_299 = tpu.vector_load %arg11[%get3A_298] {strides = array<i32>} : memref<128xf32, #tpu.memory_space<vmem>>, vector<16xf32>,
      %get3A_300 = vector.shape_cast %get3A_299 : vector<16xf32> to vector<16xf32>
      %lt3A_301 = arith.constant 0 : i32
      %lt3A_302 = vector.broadcast %lt3A_301 : i32 to vector<16xi32>
      %lt3A_303 = arith.cmpi slt, %and3A_225, %lt3A_302 : vector<16xi32>
      %add3A_304 = arith.constant 16 : i32
      %add3A_305 = vector.broadcast %add3A_304 : i32 to vector<16xi32>
      %add3A_306 = arith.addi %and3A_225, %add3A_305 : vector<16xi32>
      %select_n3A_307 = arith.select %lt3A_303, %add3A_306, %and3A_225 : vector<16xi1>, vector<16xi32>
      %broadcast_in_dim3A_308 = vector.shape_cast %select_n3A_307 : vector<16xi32> to vector<16x1xi32>
      %gather3A_309 = vector.shape_cast %broadcast_in_dim3A_308 : vector<16x1xi32> to vector<16xi32>
      %gather3A_310 = tpu.dynamic_gather %get3A_297[%gather3A_309] in [0] : vector<16xf32>, vector<16xi32> -> vector<16xf32>
      %lt3A_311 = arith.constant 0 : i32
      %lt3A_312 = vector.broadcast %lt3A_311 : i32 to vector<16xi32>
      %lt3A_313 = arith.cmpi slt, %and3A_225, %lt3A_312 : vector<16xi32>
      %add3A_314 = arith.constant 16 : i32
      %add3A_315 = vector.broadcast %add3A_314 : i32 to vector<16xi32>
      %add3A_316 = arith.addi %and3A_225, %add3A_315 : vector<16xi32>
      %select_n3A_317 = arith.select %lt3A_313, %add3A_316, %and3A_225 : vector<16xi1>, vector<16xi32>
      %broadcast_in_dim3A_318 = vector.shape_cast %select_n3A_317 : vector<16xi32> to vector<16x1xi32>
      %gather3A_319 = vector.shape_cast %broadcast_in_dim3A_318 : vector<16x1xi32> to vector<16xi32>
      %gather3A_320 = tpu.dynamic_gather %get3A_300[%gather3A_319] in [0] : vector<16xf32>, vector<16xi32> -> vector<16xf32>
      %eq3A_321 = arith.constant 2 : i32
      %eq3A_322 = vector.broadcast %eq3A_321 : i32 to vector<16xi32>
      %eq3A_323 = arith.cmpi eq, %shift_right_logical3A_228, %eq3A_322 : vector<16xi32>
      %select_n3A_324 = arith.select %eq3A_323, %gather3A_310, %select_n3A_293 : vector<16xi1>, vector<16xf32>
      %select_n3A_325 = arith.select %eq3A_323, %gather3A_320, %select_n3A_294 : vector<16xi1>, vector<16xf32>
      %get3A_326 = arith.constant 48 : index
      %get3A_327 = tpu.vector_load %arg10[%get3A_326] {strides = array<i32>} : memref<128xf32, #tpu.memory_space<vmem>>, vector<16xf32>,
      %get3A_328 = vector.shape_cast %get3A_327 : vector<16xf32> to vector<16xf32>
      %get3A_329 = arith.constant 48 : index
      %get3A_330 = tpu.vector_load %arg11[%get3A_329] {strides = array<i32>} : memref<128xf32, #tpu.memory_space<vmem>>, vector<16xf32>,
      %get3A_331 = vector.shape_cast %get3A_330 : vector<16xf32> to vector<16xf32>
      %lt3A_332 = arith.constant 0 : i32
      %lt3A_333 = vector.broadcast %lt3A_332 : i32 to vector<16xi32>
      %lt3A_334 = arith.cmpi slt, %and3A_225, %lt3A_333 : vector<16xi32>
      %add3A_335 = arith.constant 16 : i32
      %add3A_336 = vector.broadcast %add3A_335 : i32 to vector<16xi32>
      %add3A_337 = arith.addi %and3A_225, %add3A_336 : vector<16xi32>
      %select_n3A_338 = arith.select %lt3A_334, %add3A_337, %and3A_225 : vector<16xi1>, vector<16xi32>
      %broadcast_in_dim3A_339 = vector.shape_cast %select_n3A_338 : vector<16xi32> to vector<16x1xi32>
      %gather3A_340 = vector.shape_cast %broadcast_in_dim3A_339 : vector<16x1xi32> to vector<16xi32>
      %gather3A_341 = tpu.dynamic_gather %get3A_328[%gather3A_340] in [0] : vector<16xf32>, vector<16xi32> -> vector<16xf32>
      %lt3A_342 = arith.constant 0 : i32
      %lt3A_343 = vector.broadcast %lt3A_342 : i32 to vector<16xi32>
      %lt3A_344 = arith.cmpi slt, %and3A_225, %lt3A_343 : vector<16xi32>
      %add3A_345 = arith.constant 16 : i32
      %add3A_346 = vector.broadcast %add3A_345 : i32 to vector<16xi32>
      %add3A_347 = arith.addi %and3A_225, %add3A_346 : vector<16xi32>
      %select_n3A_348 = arith.select %lt3A_344, %add3A_347, %and3A_225 : vector<16xi1>, vector<16xi32>
      %broadcast_in_dim3A_349 = vector.shape_cast %select_n3A_348 : vector<16xi32> to vector<16x1xi32>
      %gather3A_350 = vector.shape_cast %broadcast_in_dim3A_349 : vector<16x1xi32> to vector<16xi32>
      %gather3A_351 = tpu.dynamic_gather %get3A_331[%gather3A_350] in [0] : vector<16xf32>, vector<16xi32> -> vector<16xf32>
      %eq3A_352 = arith.constant 3 : i32
      %eq3A_353 = vector.broadcast %eq3A_352 : i32 to vector<16xi32>
      %eq3A_354 = arith.cmpi eq, %shift_right_logical3A_228, %eq3A_353 : vector<16xi32>
      %select_n3A_355 = arith.select %eq3A_354, %gather3A_341, %select_n3A_324 : vector<16xi1>, vector<16xf32>
      %select_n3A_356 = arith.select %eq3A_354, %gather3A_351, %select_n3A_325 : vector<16xi1>, vector<16xf32>
      %get3A_357 = arith.constant 64 : index
      %get3A_358 = tpu.vector_load %arg10[%get3A_357] {strides = array<i32>} : memref<128xf32, #tpu.memory_space<vmem>>, vector<16xf32>,
      %get3A_359 = vector.shape_cast %get3A_358 : vector<16xf32> to vector<16xf32>
      %get3A_360 = arith.constant 64 : index
      %get3A_361 = tpu.vector_load %arg11[%get3A_360] {strides = array<i32>} : memref<128xf32, #tpu.memory_space<vmem>>, vector<16xf32>,
      %get3A_362 = vector.shape_cast %get3A_361 : vector<16xf32> to vector<16xf32>
      %lt3A_363 = arith.constant 0 : i32
      %lt3A_364 = vector.broadcast %lt3A_363 : i32 to vector<16xi32>
      %lt3A_365 = arith.cmpi slt, %and3A_225, %lt3A_364 : vector<16xi32>
      %add3A_366 = arith.constant 16 : i32
      %add3A_367 = vector.broadcast %add3A_366 : i32 to vector<16xi32>
      %add3A_368 = arith.addi %and3A_225, %add3A_367 : vector<16xi32>
      %select_n3A_369 = arith.select %lt3A_365, %add3A_368, %and3A_225 : vector<16xi1>, vector<16xi32>
      %broadcast_in_dim3A_370 = vector.shape_cast %select_n3A_369 : vector<16xi32> to vector<16x1xi32>
      %gather3A_371 = vector.shape_cast %broadcast_in_dim3A_370 : vector<16x1xi32> to vector<16xi32>
      %gather3A_372 = tpu.dynamic_gather %get3A_359[%gather3A_371] in [0] : vector<16xf32>, vector<16xi32> -> vector<16xf32>
      %lt3A_373 = arith.constant 0 : i32
      %lt3A_374 = vector.broadcast %lt3A_373 : i32 to vector<16xi32>
      %lt3A_375 = arith.cmpi slt, %and3A_225, %lt3A_374 : vector<16xi32>
      %add3A_376 = arith.constant 16 : i32
      %add3A_377 = vector.broadcast %add3A_376 : i32 to vector<16xi32>
      %add3A_378 = arith.addi %and3A_225, %add3A_377 : vector<16xi32>
      %select_n3A_379 = arith.select %lt3A_375, %add3A_378, %and3A_225 : vector<16xi1>, vector<16xi32>
      %broadcast_in_dim3A_380 = vector.shape_cast %select_n3A_379 : vector<16xi32> to vector<16x1xi32>
      %gather3A_381 = vector.shape_cast %broadcast_in_dim3A_380 : vector<16x1xi32> to vector<16xi32>
      %gather3A_382 = tpu.dynamic_gather %get3A_362[%gather3A_381] in [0] : vector<16xf32>, vector<16xi32> -> vector<16xf32>
      %eq3A_383 = arith.constant 4 : i32
      %eq3A_384 = vector.broadcast %eq3A_383 : i32 to vector<16xi32>
      %eq3A_385 = arith.cmpi eq, %shift_right_logical3A_228, %eq3A_384 : vector<16xi32>
      %select_n3A_386 = arith.select %eq3A_385, %gather3A_372, %select_n3A_355 : vector<16xi1>, vector<16xf32>
      %select_n3A_387 = arith.select %eq3A_385, %gather3A_382, %select_n3A_356 : vector<16xi1>, vector<16xf32>
      %get3A_388 = arith.constant 80 : index
      %get3A_389 = tpu.vector_load %arg10[%get3A_388] {strides = array<i32>} : memref<128xf32, #tpu.memory_space<vmem>>, vector<16xf32>,
      %get3A_390 = vector.shape_cast %get3A_389 : vector<16xf32> to vector<16xf32>
      %get3A_391 = arith.constant 80 : index
      %get3A_392 = tpu.vector_load %arg11[%get3A_391] {strides = array<i32>} : memref<128xf32, #tpu.memory_space<vmem>>, vector<16xf32>,
      %get3A_393 = vector.shape_cast %get3A_392 : vector<16xf32> to vector<16xf32>
      %lt3A_394 = arith.constant 0 : i32
      %lt3A_395 = vector.broadcast %lt3A_394 : i32 to vector<16xi32>
      %lt3A_396 = arith.cmpi slt, %and3A_225, %lt3A_395 : vector<16xi32>
      %add3A_397 = arith.constant 16 : i32
      %add3A_398 = vector.broadcast %add3A_397 : i32 to vector<16xi32>
      %add3A_399 = arith.addi %and3A_225, %add3A_398 : vector<16xi32>
      %select_n3A_400 = arith.select %lt3A_396, %add3A_399, %and3A_225 : vector<16xi1>, vector<16xi32>
      %broadcast_in_dim3A_401 = vector.shape_cast %select_n3A_400 : vector<16xi32> to vector<16x1xi32>
      %gather3A_402 = vector.shape_cast %broadcast_in_dim3A_401 : vector<16x1xi32> to vector<16xi32>
      %gather3A_403 = tpu.dynamic_gather %get3A_390[%gather3A_402] in [0] : vector<16xf32>, vector<16xi32> -> vector<16xf32>
      %lt3A_404 = arith.constant 0 : i32
      %lt3A_405 = vector.broadcast %lt3A_404 : i32 to vector<16xi32>
      %lt3A_406 = arith.cmpi slt, %and3A_225, %lt3A_405 : vector<16xi32>
      %add3A_407 = arith.constant 16 : i32
      %add3A_408 = vector.broadcast %add3A_407 : i32 to vector<16xi32>
      %add3A_409 = arith.addi %and3A_225, %add3A_408 : vector<16xi32>
      %select_n3A_410 = arith.select %lt3A_406, %add3A_409, %and3A_225 : vector<16xi1>, vector<16xi32>
      %broadcast_in_dim3A_411 = vector.shape_cast %select_n3A_410 : vector<16xi32> to vector<16x1xi32>
      %gather3A_412 = vector.shape_cast %broadcast_in_dim3A_411 : vector<16x1xi32> to vector<16xi32>
      %gather3A_413 = tpu.dynamic_gather %get3A_393[%gather3A_412] in [0] : vector<16xf32>, vector<16xi32> -> vector<16xf32>
      %eq3A_414 = arith.constant 5 : i32
      %eq3A_415 = vector.broadcast %eq3A_414 : i32 to vector<16xi32>
      %eq3A_416 = arith.cmpi eq, %shift_right_logical3A_228, %eq3A_415 : vector<16xi32>
      %select_n3A_417 = arith.select %eq3A_416, %gather3A_403, %select_n3A_386 : vector<16xi1>, vector<16xf32>
      %select_n3A_418 = arith.select %eq3A_416, %gather3A_413, %select_n3A_387 : vector<16xi1>, vector<16xf32>
      %swap3A_419 = arith.index_cast %add3A_219 : i32 to index
      %swap3A_420 = tpu.vector_load %arg8[%swap3A_419] {strides = array<i32>} : memref<1024xf32, #tpu.memory_space<vmem>>, vector<16xf32>,
      %swap3A_421 = vector.shape_cast %swap3A_420 : vector<16xf32> to vector<16xf32>
      %swap3A_422 = vector.shape_cast %select_n3A_417 : vector<16xf32> to vector<16xf32>
      tpu.vector_store %arg8[%swap3A_419], %swap3A_422 {strides = array<i32>} : memref<1024xf32, #tpu.memory_space<vmem>>, vector<16xf32>,
      %swap3A_423 = arith.index_cast %add3A_219 : i32 to index
      %swap3A_424 = tpu.vector_load %arg9[%swap3A_423] {strides = array<i32>} : memref<1024xf32, #tpu.memory_space<vmem>>, vector<16xf32>,
      %swap3A_425 = vector.shape_cast %swap3A_424 : vector<16xf32> to vector<16xf32>
      %swap3A_426 = vector.shape_cast %select_n3A_418 : vector<16xf32> to vector<16xf32>
      tpu.vector_store %arg9[%swap3A_423], %swap3A_426 {strides = array<i32>} : memref<1024xf32, #tpu.memory_space<vmem>>, vector<16xf32>,
    }
    %while3A_12 = arith.constant 1 : i32
    scf.for %while3A_13 = %while3A_10 to %while3A_6 step %while3A_12  : i32 {
      %mul3A_14 = arith.constant 32 : i32
      %mul3A_15 = arith.muli %while3A_13, %mul3A_14 : i32
      %add3A_16 = arith.constant 0 : i32
      %add3A_17 = arith.addi %mul3A_15, %add3A_16 : i32
      %get3A = arith.index_cast %add3A_17 : i32 to index
      %get3A_18 = tpu.vector_load %arg7[%get3A] {strides = array<i32>} : memref<1024xi32, #tpu.memory_space<vmem>>, vector<16xi32>,
      %get3A_19 = vector.shape_cast %get3A_18 : vector<16xi32> to vector<16xi32>
      %and3A = arith.constant 15 : i32
      %and3A_20 = vector.broadcast %and3A : i32 to vector<16xi32>
      %and3A_21 = arith.andi %get3A_19, %and3A_20 : vector<16xi32>
      %shift_right_logical3A = arith.constant 4 : i32
      %shift_right_logical3A_22 = vector.broadcast %shift_right_logical3A : i32 to vector<16xi32>
      %shift_right_logical3A_23 = arith.shrui %get3A_19, %shift_right_logical3A_22 : vector<16xi32>
      %broadcast_in_dim3A = arith.constant 0.000000e+00 : f32
      %broadcast_in_dim3A_24 = vector.broadcast %broadcast_in_dim3A : f32 to vector<16xf32>
      %broadcast_in_dim3A_25 = arith.constant 0.000000e+00 : f32
      %broadcast_in_dim3A_26 = vector.broadcast %broadcast_in_dim3A_25 : f32 to vector<16xf32>
      %get3A_27 = arith.constant 0 : index
      %get3A_28 = tpu.vector_load %arg10[%get3A_27] {strides = array<i32>} : memref<128xf32, #tpu.memory_space<vmem>>, vector<16xf32>,
      %get3A_29 = vector.shape_cast %get3A_28 : vector<16xf32> to vector<16xf32>
      %get3A_30 = arith.constant 0 : index
      %get3A_31 = tpu.vector_load %arg11[%get3A_30] {strides = array<i32>} : memref<128xf32, #tpu.memory_space<vmem>>, vector<16xf32>,
      %get3A_32 = vector.shape_cast %get3A_31 : vector<16xf32> to vector<16xf32>
      %lt3A = arith.constant 0 : i32
      %lt3A_33 = vector.broadcast %lt3A : i32 to vector<16xi32>
      %lt3A_34 = arith.cmpi slt, %and3A_21, %lt3A_33 : vector<16xi32>
      %add3A_35 = arith.constant 16 : i32
      %add3A_36 = vector.broadcast %add3A_35 : i32 to vector<16xi32>
      %add3A_37 = arith.addi %and3A_21, %add3A_36 : vector<16xi32>
      %select_n3A = arith.select %lt3A_34, %add3A_37, %and3A_21 : vector<16xi1>, vector<16xi32>
      %broadcast_in_dim3A_38 = vector.shape_cast %select_n3A : vector<16xi32> to vector<16x1xi32>
      %gather3A = vector.shape_cast %broadcast_in_dim3A_38 : vector<16x1xi32> to vector<16xi32>
      %gather3A_39 = tpu.dynamic_gather %get3A_29[%gather3A] in [0] : vector<16xf32>, vector<16xi32> -> vector<16xf32>
      %lt3A_40 = arith.constant 0 : i32
      %lt3A_41 = vector.broadcast %lt3A_40 : i32 to vector<16xi32>
      %lt3A_42 = arith.cmpi slt, %and3A_21, %lt3A_41 : vector<16xi32>
      %add3A_43 = arith.constant 16 : i32
      %add3A_44 = vector.broadcast %add3A_43 : i32 to vector<16xi32>
      %add3A_45 = arith.addi %and3A_21, %add3A_44 : vector<16xi32>
      %select_n3A_46 = arith.select %lt3A_42, %add3A_45, %and3A_21 : vector<16xi1>, vector<16xi32>
      %broadcast_in_dim3A_47 = vector.shape_cast %select_n3A_46 : vector<16xi32> to vector<16x1xi32>
      %gather3A_48 = vector.shape_cast %broadcast_in_dim3A_47 : vector<16x1xi32> to vector<16xi32>
      %gather3A_49 = tpu.dynamic_gather %get3A_32[%gather3A_48] in [0] : vector<16xf32>, vector<16xi32> -> vector<16xf32>
      %eq3A = arith.constant 0 : i32
      %eq3A_50 = vector.broadcast %eq3A : i32 to vector<16xi32>
      %eq3A_51 = arith.cmpi eq, %shift_right_logical3A_23, %eq3A_50 : vector<16xi32>
      %select_n3A_52 = arith.select %eq3A_51, %gather3A_39, %broadcast_in_dim3A_24 : vector<16xi1>, vector<16xf32>
      %select_n3A_53 = arith.select %eq3A_51, %gather3A_49, %broadcast_in_dim3A_26 : vector<16xi1>, vector<16xf32>
      %get3A_54 = arith.constant 16 : index
      %get3A_55 = tpu.vector_load %arg10[%get3A_54] {strides = array<i32>} : memref<128xf32, #tpu.memory_space<vmem>>, vector<16xf32>,
      %get3A_56 = vector.shape_cast %get3A_55 : vector<16xf32> to vector<16xf32>
      %get3A_57 = arith.constant 16 : index
      %get3A_58 = tpu.vector_load %arg11[%get3A_57] {strides = array<i32>} : memref<128xf32, #tpu.memory_space<vmem>>, vector<16xf32>,
      %get3A_59 = vector.shape_cast %get3A_58 : vector<16xf32> to vector<16xf32>
      %lt3A_60 = arith.constant 0 : i32
      %lt3A_61 = vector.broadcast %lt3A_60 : i32 to vector<16xi32>
      %lt3A_62 = arith.cmpi slt, %and3A_21, %lt3A_61 : vector<16xi32>
      %add3A_63 = arith.constant 16 : i32
      %add3A_64 = vector.broadcast %add3A_63 : i32 to vector<16xi32>
      %add3A_65 = arith.addi %and3A_21, %add3A_64 : vector<16xi32>
      %select_n3A_66 = arith.select %lt3A_62, %add3A_65, %and3A_21 : vector<16xi1>, vector<16xi32>
      %broadcast_in_dim3A_67 = vector.shape_cast %select_n3A_66 : vector<16xi32> to vector<16x1xi32>
      %gather3A_68 = vector.shape_cast %broadcast_in_dim3A_67 : vector<16x1xi32> to vector<16xi32>
      %gather3A_69 = tpu.dynamic_gather %get3A_56[%gather3A_68] in [0] : vector<16xf32>, vector<16xi32> -> vector<16xf32>
      %lt3A_70 = arith.constant 0 : i32
      %lt3A_71 = vector.broadcast %lt3A_70 : i32 to vector<16xi32>
      %lt3A_72 = arith.cmpi slt, %and3A_21, %lt3A_71 : vector<16xi32>
      %add3A_73 = arith.constant 16 : i32
      %add3A_74 = vector.broadcast %add3A_73 : i32 to vector<16xi32>
      %add3A_75 = arith.addi %and3A_21, %add3A_74 : vector<16xi32>
      %select_n3A_76 = arith.select %lt3A_72, %add3A_75, %and3A_21 : vector<16xi1>, vector<16xi32>
      %broadcast_in_dim3A_77 = vector.shape_cast %select_n3A_76 : vector<16xi32> to vector<16x1xi32>
      %gather3A_78 = vector.shape_cast %broadcast_in_dim3A_77 : vector<16x1xi32> to vector<16xi32>
      %gather3A_79 = tpu.dynamic_gather %get3A_59[%gather3A_78] in [0] : vector<16xf32>, vector<16xi32> -> vector<16xf32>
      %eq3A_80 = arith.constant 1 : i32
      %eq3A_81 = vector.broadcast %eq3A_80 : i32 to vector<16xi32>
      %eq3A_82 = arith.cmpi eq, %shift_right_logical3A_23, %eq3A_81 : vector<16xi32>
      %select_n3A_83 = arith.select %eq3A_82, %gather3A_69, %select_n3A_52 : vector<16xi1>, vector<16xf32>
      %select_n3A_84 = arith.select %eq3A_82, %gather3A_79, %select_n3A_53 : vector<16xi1>, vector<16xf32>
      %get3A_85 = arith.constant 32 : index
      %get3A_86 = tpu.vector_load %arg10[%get3A_85] {strides = array<i32>} : memref<128xf32, #tpu.memory_space<vmem>>, vector<16xf32>,
      %get3A_87 = vector.shape_cast %get3A_86 : vector<16xf32> to vector<16xf32>
      %get3A_88 = arith.constant 32 : index
      %get3A_89 = tpu.vector_load %arg11[%get3A_88] {strides = array<i32>} : memref<128xf32, #tpu.memory_space<vmem>>, vector<16xf32>,
      %get3A_90 = vector.shape_cast %get3A_89 : vector<16xf32> to vector<16xf32>
      %lt3A_91 = arith.constant 0 : i32
      %lt3A_92 = vector.broadcast %lt3A_91 : i32 to vector<16xi32>
      %lt3A_93 = arith.cmpi slt, %and3A_21, %lt3A_92 : vector<16xi32>
      %add3A_94 = arith.constant 16 : i32
      %add3A_95 = vector.broadcast %add3A_94 : i32 to vector<16xi32>
      %add3A_96 = arith.addi %and3A_21, %add3A_95 : vector<16xi32>
      %select_n3A_97 = arith.select %lt3A_93, %add3A_96, %and3A_21 : vector<16xi1>, vector<16xi32>
      %broadcast_in_dim3A_98 = vector.shape_cast %select_n3A_97 : vector<16xi32> to vector<16x1xi32>
      %gather3A_99 = vector.shape_cast %broadcast_in_dim3A_98 : vector<16x1xi32> to vector<16xi32>
      %gather3A_100 = tpu.dynamic_gather %get3A_87[%gather3A_99] in [0] : vector<16xf32>, vector<16xi32> -> vector<16xf32>
      %lt3A_101 = arith.constant 0 : i32
      %lt3A_102 = vector.broadcast %lt3A_101 : i32 to vector<16xi32>
      %lt3A_103 = arith.cmpi slt, %and3A_21, %lt3A_102 : vector<16xi32>
      %add3A_104 = arith.constant 16 : i32
      %add3A_105 = vector.broadcast %add3A_104 : i32 to vector<16xi32>
      %add3A_106 = arith.addi %and3A_21, %add3A_105 : vector<16xi32>
      %select_n3A_107 = arith.select %lt3A_103, %add3A_106, %and3A_21 : vector<16xi1>, vector<16xi32>
      %broadcast_in_dim3A_108 = vector.shape_cast %select_n3A_107 : vector<16xi32> to vector<16x1xi32>
      %gather3A_109 = vector.shape_cast %broadcast_in_dim3A_108 : vector<16x1xi32> to vector<16xi32>
      %gather3A_110 = tpu.dynamic_gather %get3A_90[%gather3A_109] in [0] : vector<16xf32>, vector<16xi32> -> vector<16xf32>
      %eq3A_111 = arith.constant 2 : i32
      %eq3A_112 = vector.broadcast %eq3A_111 : i32 to vector<16xi32>
      %eq3A_113 = arith.cmpi eq, %shift_right_logical3A_23, %eq3A_112 : vector<16xi32>
      %select_n3A_114 = arith.select %eq3A_113, %gather3A_100, %select_n3A_83 : vector<16xi1>, vector<16xf32>
      %select_n3A_115 = arith.select %eq3A_113, %gather3A_110, %select_n3A_84 : vector<16xi1>, vector<16xf32>
      %get3A_116 = arith.constant 48 : index
      %get3A_117 = tpu.vector_load %arg10[%get3A_116] {strides = array<i32>} : memref<128xf32, #tpu.memory_space<vmem>>, vector<16xf32>,
      %get3A_118 = vector.shape_cast %get3A_117 : vector<16xf32> to vector<16xf32>
      %get3A_119 = arith.constant 48 : index
      %get3A_120 = tpu.vector_load %arg11[%get3A_119] {strides = array<i32>} : memref<128xf32, #tpu.memory_space<vmem>>, vector<16xf32>,
      %get3A_121 = vector.shape_cast %get3A_120 : vector<16xf32> to vector<16xf32>
      %lt3A_122 = arith.constant 0 : i32
      %lt3A_123 = vector.broadcast %lt3A_122 : i32 to vector<16xi32>
      %lt3A_124 = arith.cmpi slt, %and3A_21, %lt3A_123 : vector<16xi32>
      %add3A_125 = arith.constant 16 : i32
      %add3A_126 = vector.broadcast %add3A_125 : i32 to vector<16xi32>
      %add3A_127 = arith.addi %and3A_21, %add3A_126 : vector<16xi32>
      %select_n3A_128 = arith.select %lt3A_124, %add3A_127, %and3A_21 : vector<16xi1>, vector<16xi32>
      %broadcast_in_dim3A_129 = vector.shape_cast %select_n3A_128 : vector<16xi32> to vector<16x1xi32>
      %gather3A_130 = vector.shape_cast %broadcast_in_dim3A_129 : vector<16x1xi32> to vector<16xi32>
      %gather3A_131 = tpu.dynamic_gather %get3A_118[%gather3A_130] in [0] : vector<16xf32>, vector<16xi32> -> vector<16xf32>
      %lt3A_132 = arith.constant 0 : i32
      %lt3A_133 = vector.broadcast %lt3A_132 : i32 to vector<16xi32>
      %lt3A_134 = arith.cmpi slt, %and3A_21, %lt3A_133 : vector<16xi32>
      %add3A_135 = arith.constant 16 : i32
      %add3A_136 = vector.broadcast %add3A_135 : i32 to vector<16xi32>
      %add3A_137 = arith.addi %and3A_21, %add3A_136 : vector<16xi32>
      %select_n3A_138 = arith.select %lt3A_134, %add3A_137, %and3A_21 : vector<16xi1>, vector<16xi32>
      %broadcast_in_dim3A_139 = vector.shape_cast %select_n3A_138 : vector<16xi32> to vector<16x1xi32>
      %gather3A_140 = vector.shape_cast %broadcast_in_dim3A_139 : vector<16x1xi32> to vector<16xi32>
      %gather3A_141 = tpu.dynamic_gather %get3A_121[%gather3A_140] in [0] : vector<16xf32>, vector<16xi32> -> vector<16xf32>
      %eq3A_142 = arith.constant 3 : i32
      %eq3A_143 = vector.broadcast %eq3A_142 : i32 to vector<16xi32>
      %eq3A_144 = arith.cmpi eq, %shift_right_logical3A_23, %eq3A_143 : vector<16xi32>
      %select_n3A_145 = arith.select %eq3A_144, %gather3A_131, %select_n3A_114 : vector<16xi1>, vector<16xf32>
      %select_n3A_146 = arith.select %eq3A_144, %gather3A_141, %select_n3A_115 : vector<16xi1>, vector<16xf32>
      %get3A_147 = arith.constant 64 : index
      %get3A_148 = tpu.vector_load %arg10[%get3A_147] {strides = array<i32>} : memref<128xf32, #tpu.memory_space<vmem>>, vector<16xf32>,
      %get3A_149 = vector.shape_cast %get3A_148 : vector<16xf32> to vector<16xf32>
      %get3A_150 = arith.constant 64 : index
      %get3A_151 = tpu.vector_load %arg11[%get3A_150] {strides = array<i32>} : memref<128xf32, #tpu.memory_space<vmem>>, vector<16xf32>,
      %get3A_152 = vector.shape_cast %get3A_151 : vector<16xf32> to vector<16xf32>
      %lt3A_153 = arith.constant 0 : i32
      %lt3A_154 = vector.broadcast %lt3A_153 : i32 to vector<16xi32>
      %lt3A_155 = arith.cmpi slt, %and3A_21, %lt3A_154 : vector<16xi32>
      %add3A_156 = arith.constant 16 : i32
      %add3A_157 = vector.broadcast %add3A_156 : i32 to vector<16xi32>
      %add3A_158 = arith.addi %and3A_21, %add3A_157 : vector<16xi32>
      %select_n3A_159 = arith.select %lt3A_155, %add3A_158, %and3A_21 : vector<16xi1>, vector<16xi32>
      %broadcast_in_dim3A_160 = vector.shape_cast %select_n3A_159 : vector<16xi32> to vector<16x1xi32>
      %gather3A_161 = vector.shape_cast %broadcast_in_dim3A_160 : vector<16x1xi32> to vector<16xi32>
      %gather3A_162 = tpu.dynamic_gather %get3A_149[%gather3A_161] in [0] : vector<16xf32>, vector<16xi32> -> vector<16xf32>
      %lt3A_163 = arith.constant 0 : i32
      %lt3A_164 = vector.broadcast %lt3A_163 : i32 to vector<16xi32>
      %lt3A_165 = arith.cmpi slt, %and3A_21, %lt3A_164 : vector<16xi32>
      %add3A_166 = arith.constant 16 : i32
      %add3A_167 = vector.broadcast %add3A_166 : i32 to vector<16xi32>
      %add3A_168 = arith.addi %and3A_21, %add3A_167 : vector<16xi32>
      %select_n3A_169 = arith.select %lt3A_165, %add3A_168, %and3A_21 : vector<16xi1>, vector<16xi32>
      %broadcast_in_dim3A_170 = vector.shape_cast %select_n3A_169 : vector<16xi32> to vector<16x1xi32>
      %gather3A_171 = vector.shape_cast %broadcast_in_dim3A_170 : vector<16x1xi32> to vector<16xi32>
      %gather3A_172 = tpu.dynamic_gather %get3A_152[%gather3A_171] in [0] : vector<16xf32>, vector<16xi32> -> vector<16xf32>
      %eq3A_173 = arith.constant 4 : i32
      %eq3A_174 = vector.broadcast %eq3A_173 : i32 to vector<16xi32>
      %eq3A_175 = arith.cmpi eq, %shift_right_logical3A_23, %eq3A_174 : vector<16xi32>
      %select_n3A_176 = arith.select %eq3A_175, %gather3A_162, %select_n3A_145 : vector<16xi1>, vector<16xf32>
      %select_n3A_177 = arith.select %eq3A_175, %gather3A_172, %select_n3A_146 : vector<16xi1>, vector<16xf32>
      %get3A_178 = arith.constant 80 : index
      %get3A_179 = tpu.vector_load %arg10[%get3A_178] {strides = array<i32>} : memref<128xf32, #tpu.memory_space<vmem>>, vector<16xf32>,
      %get3A_180 = vector.shape_cast %get3A_179 : vector<16xf32> to vector<16xf32>
      %get3A_181 = arith.constant 80 : index
      %get3A_182 = tpu.vector_load %arg11[%get3A_181] {strides = array<i32>} : memref<128xf32, #tpu.memory_space<vmem>>, vector<16xf32>,
      %get3A_183 = vector.shape_cast %get3A_182 : vector<16xf32> to vector<16xf32>
      %lt3A_184 = arith.constant 0 : i32
      %lt3A_185 = vector.broadcast %lt3A_184 : i32 to vector<16xi32>
      %lt3A_186 = arith.cmpi slt, %and3A_21, %lt3A_185 : vector<16xi32>
      %add3A_187 = arith.constant 16 : i32
      %add3A_188 = vector.broadcast %add3A_187 : i32 to vector<16xi32>
      %add3A_189 = arith.addi %and3A_21, %add3A_188 : vector<16xi32>
      %select_n3A_190 = arith.select %lt3A_186, %add3A_189, %and3A_21 : vector<16xi1>, vector<16xi32>
      %broadcast_in_dim3A_191 = vector.shape_cast %select_n3A_190 : vector<16xi32> to vector<16x1xi32>
      %gather3A_192 = vector.shape_cast %broadcast_in_dim3A_191 : vector<16x1xi32> to vector<16xi32>
      %gather3A_193 = tpu.dynamic_gather %get3A_180[%gather3A_192] in [0] : vector<16xf32>, vector<16xi32> -> vector<16xf32>
      %lt3A_194 = arith.constant 0 : i32
      %lt3A_195 = vector.broadcast %lt3A_194 : i32 to vector<16xi32>
      %lt3A_196 = arith.cmpi slt, %and3A_21, %lt3A_195 : vector<16xi32>
      %add3A_197 = arith.constant 16 : i32
      %add3A_198 = vector.broadcast %add3A_197 : i32 to vector<16xi32>
      %add3A_199 = arith.addi %and3A_21, %add3A_198 : vector<16xi32>
      %select_n3A_200 = arith.select %lt3A_196, %add3A_199, %and3A_21 : vector<16xi1>, vector<16xi32>
      %broadcast_in_dim3A_201 = vector.shape_cast %select_n3A_200 : vector<16xi32> to vector<16x1xi32>
      %gather3A_202 = vector.shape_cast %broadcast_in_dim3A_201 : vector<16x1xi32> to vector<16xi32>
      %gather3A_203 = tpu.dynamic_gather %get3A_183[%gather3A_202] in [0] : vector<16xf32>, vector<16xi32> -> vector<16xf32>
      %eq3A_204 = arith.constant 5 : i32
      %eq3A_205 = vector.broadcast %eq3A_204 : i32 to vector<16xi32>
      %eq3A_206 = arith.cmpi eq, %shift_right_logical3A_23, %eq3A_205 : vector<16xi32>
      %select_n3A_207 = arith.select %eq3A_206, %gather3A_193, %select_n3A_176 : vector<16xi1>, vector<16xf32>
      %select_n3A_208 = arith.select %eq3A_206, %gather3A_203, %select_n3A_177 : vector<16xi1>, vector<16xf32>
      %swap3A = arith.index_cast %add3A_17 : i32 to index
      %swap3A_209 = tpu.vector_load %arg8[%swap3A] {strides = array<i32>} : memref<1024xf32, #tpu.memory_space<vmem>>, vector<16xf32>,
      %swap3A_210 = vector.shape_cast %swap3A_209 : vector<16xf32> to vector<16xf32>
      %swap3A_211 = vector.shape_cast %select_n3A_207 : vector<16xf32> to vector<16xf32>
      tpu.vector_store %arg8[%swap3A], %swap3A_211 {strides = array<i32>} : memref<1024xf32, #tpu.memory_space<vmem>>, vector<16xf32>,
      %swap3A_212 = arith.index_cast %add3A_17 : i32 to index
      %swap3A_213 = tpu.vector_load %arg9[%swap3A_212] {strides = array<i32>} : memref<1024xf32, #tpu.memory_space<vmem>>, vector<16xf32>,
      %swap3A_214 = vector.shape_cast %swap3A_213 : vector<16xf32> to vector<16xf32>
      %swap3A_215 = vector.shape_cast %select_n3A_208 : vector<16xf32> to vector<16xf32>
      tpu.vector_store %arg9[%swap3A_212], %swap3A_215 {strides = array<i32>} : memref<1024xf32, #tpu.memory_space<vmem>>, vector<16xf32>,
      %mul3A_216 = arith.constant 32 : i32
      %mul3A_217 = arith.muli %while3A_13, %mul3A_216 : i32
      %add3A_218 = arith.constant 16 : i32
      %add3A_219 = arith.addi %mul3A_217, %add3A_218 : i32
      %get3A_220 = arith.index_cast %add3A_219 : i32 to index
      %get3A_221 = tpu.vector_load %arg7[%get3A_220] {strides = array<i32>} : memref<1024xi32, #tpu.memory_space<vmem>>, vector<16xi32>,
      %get3A_222 = vector.shape_cast %get3A_221 : vector<16xi32> to vector<16xi32>
      %and3A_223 = arith.constant 15 : i32
      %and3A_224 = vector.broadcast %and3A_223 : i32 to vector<16xi32>
      %and3A_225 = arith.andi %get3A_222, %and3A_224 : vector<16xi32>
      %shift_right_logical3A_226 = arith.constant 4 : i32
      %shift_right_logical3A_227 = vector.broadcast %shift_right_logical3A_226 : i32 to vector<16xi32>
      %shift_right_logical3A_228 = arith.shrui %get3A_222, %shift_right_logical3A_227 : vector<16xi32>
      %broadcast_in_dim3A_229 = arith.constant 0.000000e+00 : f32
      %broadcast_in_dim3A_230 = vector.broadcast %broadcast_in_dim3A_229 : f32 to vector<16xf32>
      %broadcast_in_dim3A_231 = arith.constant 0.000000e+00 : f32
      %broadcast_in_dim3A_232 = vector.broadcast %broadcast_in_dim3A_231 : f32 to vector<16xf32>
      %get3A_233 = arith.constant 0 : index
      %get3A_234 = tpu.vector_load %arg10[%get3A_233] {strides = array<i32>} : memref<128xf32, #tpu.memory_space<vmem>>, vector<16xf32>,
      %get3A_235 = vector.shape_cast %get3A_234 : vector<16xf32> to vector<16xf32>
      %get3A_236 = arith.constant 0 : index
      %get3A_237 = tpu.vector_load %arg11[%get3A_236] {strides = array<i32>} : memref<128xf32, #tpu.memory_space<vmem>>, vector<16xf32>,
      %get3A_238 = vector.shape_cast %get3A_237 : vector<16xf32> to vector<16xf32>
      %lt3A_239 = arith.constant 0 : i32
      %lt3A_240 = vector.broadcast %lt3A_239 : i32 to vector<16xi32>
      %lt3A_241 = arith.cmpi slt, %and3A_225, %lt3A_240 : vector<16xi32>
      %add3A_242 = arith.constant 16 : i32
      %add3A_243 = vector.broadcast %add3A_242 : i32 to vector<16xi32>
      %add3A_244 = arith.addi %and3A_225, %add3A_243 : vector<16xi32>
      %select_n3A_245 = arith.select %lt3A_241, %add3A_244, %and3A_225 : vector<16xi1>, vector<16xi32>
      %broadcast_in_dim3A_246 = vector.shape_cast %select_n3A_245 : vector<16xi32> to vector<16x1xi32>
      %gather3A_247 = vector.shape_cast %broadcast_in_dim3A_246 : vector<16x1xi32> to vector<16xi32>
      %gather3A_248 = tpu.dynamic_gather %get3A_235[%gather3A_247] in [0] : vector<16xf32>, vector<16xi32> -> vector<16xf32>
      %lt3A_249 = arith.constant 0 : i32
      %lt3A_250 = vector.broadcast %lt3A_249 : i32 to vector<16xi32>
      %lt3A_251 = arith.cmpi slt, %and3A_225, %lt3A_250 : vector<16xi32>
      %add3A_252 = arith.constant 16 : i32
      %add3A_253 = vector.broadcast %add3A_252 : i32 to vector<16xi32>
      %add3A_254 = arith.addi %and3A_225, %add3A_253 : vector<16xi32>
      %select_n3A_255 = arith.select %lt3A_251, %add3A_254, %and3A_225 : vector<16xi1>, vector<16xi32>
      %broadcast_in_dim3A_256 = vector.shape_cast %select_n3A_255 : vector<16xi32> to vector<16x1xi32>
      %gather3A_257 = vector.shape_cast %broadcast_in_dim3A_256 : vector<16x1xi32> to vector<16xi32>
      %gather3A_258 = tpu.dynamic_gather %get3A_238[%gather3A_257] in [0] : vector<16xf32>, vector<16xi32> -> vector<16xf32>
      %eq3A_259 = arith.constant 0 : i32
      %eq3A_260 = vector.broadcast %eq3A_259 : i32 to vector<16xi32>
      %eq3A_261 = arith.cmpi eq, %shift_right_logical3A_228, %eq3A_260 : vector<16xi32>
      %select_n3A_262 = arith.select %eq3A_261, %gather3A_248, %broadcast_in_dim3A_230 : vector<16xi1>, vector<16xf32>
      %select_n3A_263 = arith.select %eq3A_261, %gather3A_258, %broadcast_in_dim3A_232 : vector<16xi1>, vector<16xf32>
      %get3A_264 = arith.constant 16 : index
      %get3A_265 = tpu.vector_load %arg10[%get3A_264] {strides = array<i32>} : memref<128xf32, #tpu.memory_space<vmem>>, vector<16xf32>,
      %get3A_266 = vector.shape_cast %get3A_265 : vector<16xf32> to vector<16xf32>
      %get3A_267 = arith.constant 16 : index
      %get3A_268 = tpu.vector_load %arg11[%get3A_267] {strides = array<i32>} : memref<128xf32, #tpu.memory_space<vmem>>, vector<16xf32>,
      %get3A_269 = vector.shape_cast %get3A_268 : vector<16xf32> to vector<16xf32>
      %lt3A_270 = arith.constant 0 : i32
      %lt3A_271 = vector.broadcast %lt3A_270 : i32 to vector<16xi32>
      %lt3A_272 = arith.cmpi slt, %and3A_225, %lt3A_271 : vector<16xi32>
      %add3A_273 = arith.constant 16 : i32
      %add3A_274 = vector.broadcast %add3A_273 : i32 to vector<16xi32>
      %add3A_275 = arith.addi %and3A_225, %add3A_274 : vector<16xi32>
      %select_n3A_276 = arith.select %lt3A_272, %add3A_275, %and3A_225 : vector<16xi1>, vector<16xi32>
      %broadcast_in_dim3A_277 = vector.shape_cast %select_n3A_276 : vector<16xi32> to vector<16x1xi32>
      %gather3A_278 = vector.shape_cast %broadcast_in_dim3A_277 : vector<16x1xi32> to vector<16xi32>
      %gather3A_279 = tpu.dynamic_gather %get3A_266[%gather3A_278] in [0] : vector<16xf32>, vector<16xi32> -> vector<16xf32>
      %lt3A_280 = arith.constant 0 : i32
      %lt3A_281 = vector.broadcast %lt3A_280 : i32 to vector<16xi32>
      %lt3A_282 = arith.cmpi slt, %and3A_225, %lt3A_281 : vector<16xi32>
      %add3A_283 = arith.constant 16 : i32
      %add3A_284 = vector.broadcast %add3A_283 : i32 to vector<16xi32>
      %add3A_285 = arith.addi %and3A_225, %add3A_284 : vector<16xi32>
      %select_n3A_286 = arith.select %lt3A_282, %add3A_285, %and3A_225 : vector<16xi1>, vector<16xi32>
      %broadcast_in_dim3A_287 = vector.shape_cast %select_n3A_286 : vector<16xi32> to vector<16x1xi32>
      %gather3A_288 = vector.shape_cast %broadcast_in_dim3A_287 : vector<16x1xi32> to vector<16xi32>
      %gather3A_289 = tpu.dynamic_gather %get3A_269[%gather3A_288] in [0] : vector<16xf32>, vector<16xi32> -> vector<16xf32>
      %eq3A_290 = arith.constant 1 : i32
      %eq3A_291 = vector.broadcast %eq3A_290 : i32 to vector<16xi32>
      %eq3A_292 = arith.cmpi eq, %shift_right_logical3A_228, %eq3A_291 : vector<16xi32>
      %select_n3A_293 = arith.select %eq3A_292, %gather3A_279, %select_n3A_262 : vector<16xi1>, vector<16xf32>
      %select_n3A_294 = arith.select %eq3A_292, %gather3A_289, %select_n3A_263 : vector<16xi1>, vector<16xf32>
      %get3A_295 = arith.constant 32 : index
      %get3A_296 = tpu.vector_load %arg10[%get3A_295] {strides = array<i32>} : memref<128xf32, #tpu.memory_space<vmem>>, vector<16xf32>,
      %get3A_297 = vector.shape_cast %get3A_296 : vector<16xf32> to vector<16xf32>
      %get3A_298 = arith.constant 32 : index
      %get3A_299 = tpu.vector_load %arg11[%get3A_298] {strides = array<i32>} : memref<128xf32, #tpu.memory_space<vmem>>, vector<16xf32>,
      %get3A_300 = vector.shape_cast %get3A_299 : vector<16xf32> to vector<16xf32>
      %lt3A_301 = arith.constant 0 : i32
      %lt3A_302 = vector.broadcast %lt3A_301 : i32 to vector<16xi32>
      %lt3A_303 = arith.cmpi slt, %and3A_225, %lt3A_302 : vector<16xi32>
      %add3A_304 = arith.constant 16 : i32
      %add3A_305 = vector.broadcast %add3A_304 : i32 to vector<16xi32>
      %add3A_306 = arith.addi %and3A_225, %add3A_305 : vector<16xi32>
      %select_n3A_307 = arith.select %lt3A_303, %add3A_306, %and3A_225 : vector<16xi1>, vector<16xi32>
      %broadcast_in_dim3A_308 = vector.shape_cast %select_n3A_307 : vector<16xi32> to vector<16x1xi32>
      %gather3A_309 = vector.shape_cast %broadcast_in_dim3A_308 : vector<16x1xi32> to vector<16xi32>
      %gather3A_310 = tpu.dynamic_gather %get3A_297[%gather3A_309] in [0] : vector<16xf32>, vector<16xi32> -> vector<16xf32>
      %lt3A_311 = arith.constant 0 : i32
      %lt3A_312 = vector.broadcast %lt3A_311 : i32 to vector<16xi32>
      %lt3A_313 = arith.cmpi slt, %and3A_225, %lt3A_312 : vector<16xi32>
      %add3A_314 = arith.constant 16 : i32
      %add3A_315 = vector.broadcast %add3A_314 : i32 to vector<16xi32>
      %add3A_316 = arith.addi %and3A_225, %add3A_315 : vector<16xi32>
      %select_n3A_317 = arith.select %lt3A_313, %add3A_316, %and3A_225 : vector<16xi1>, vector<16xi32>
      %broadcast_in_dim3A_318 = vector.shape_cast %select_n3A_317 : vector<16xi32> to vector<16x1xi32>
      %gather3A_319 = vector.shape_cast %broadcast_in_dim3A_318 : vector<16x1xi32> to vector<16xi32>
      %gather3A_320 = tpu.dynamic_gather %get3A_300[%gather3A_319] in [0] : vector<16xf32>, vector<16xi32> -> vector<16xf32>
      %eq3A_321 = arith.constant 2 : i32
      %eq3A_322 = vector.broadcast %eq3A_321 : i32 to vector<16xi32>
      %eq3A_323 = arith.cmpi eq, %shift_right_logical3A_228, %eq3A_322 : vector<16xi32>
      %select_n3A_324 = arith.select %eq3A_323, %gather3A_310, %select_n3A_293 : vector<16xi1>, vector<16xf32>
      %select_n3A_325 = arith.select %eq3A_323, %gather3A_320, %select_n3A_294 : vector<16xi1>, vector<16xf32>
      %get3A_326 = arith.constant 48 : index
      %get3A_327 = tpu.vector_load %arg10[%get3A_326] {strides = array<i32>} : memref<128xf32, #tpu.memory_space<vmem>>, vector<16xf32>,
      %get3A_328 = vector.shape_cast %get3A_327 : vector<16xf32> to vector<16xf32>
      %get3A_329 = arith.constant 48 : index
      %get3A_330 = tpu.vector_load %arg11[%get3A_329] {strides = array<i32>} : memref<128xf32, #tpu.memory_space<vmem>>, vector<16xf32>,
      %get3A_331 = vector.shape_cast %get3A_330 : vector<16xf32> to vector<16xf32>
      %lt3A_332 = arith.constant 0 : i32
      %lt3A_333 = vector.broadcast %lt3A_332 : i32 to vector<16xi32>
      %lt3A_334 = arith.cmpi slt, %and3A_225, %lt3A_333 : vector<16xi32>
      %add3A_335 = arith.constant 16 : i32
      %add3A_336 = vector.broadcast %add3A_335 : i32 to vector<16xi32>
      %add3A_337 = arith.addi %and3A_225, %add3A_336 : vector<16xi32>
      %select_n3A_338 = arith.select %lt3A_334, %add3A_337, %and3A_225 : vector<16xi1>, vector<16xi32>
      %broadcast_in_dim3A_339 = vector.shape_cast %select_n3A_338 : vector<16xi32> to vector<16x1xi32>
      %gather3A_340 = vector.shape_cast %broadcast_in_dim3A_339 : vector<16x1xi32> to vector<16xi32>
      %gather3A_341 = tpu.dynamic_gather %get3A_328[%gather3A_340] in [0] : vector<16xf32>, vector<16xi32> -> vector<16xf32>
      %lt3A_342 = arith.constant 0 : i32
      %lt3A_343 = vector.broadcast %lt3A_342 : i32 to vector<16xi32>
      %lt3A_344 = arith.cmpi slt, %and3A_225, %lt3A_343 : vector<16xi32>
      %add3A_345 = arith.constant 16 : i32
      %add3A_346 = vector.broadcast %add3A_345 : i32 to vector<16xi32>
      %add3A_347 = arith.addi %and3A_225, %add3A_346 : vector<16xi32>
      %select_n3A_348 = arith.select %lt3A_344, %add3A_347, %and3A_225 : vector<16xi1>, vector<16xi32>
      %broadcast_in_dim3A_349 = vector.shape_cast %select_n3A_348 : vector<16xi32> to vector<16x1xi32>
      %gather3A_350 = vector.shape_cast %broadcast_in_dim3A_349 : vector<16x1xi32> to vector<16xi32>
      %gather3A_351 = tpu.dynamic_gather %get3A_331[%gather3A_350] in [0] : vector<16xf32>, vector<16xi32> -> vector<16xf32>
      %eq3A_352 = arith.constant 3 : i32
      %eq3A_353 = vector.broadcast %eq3A_352 : i32 to vector<16xi32>
      %eq3A_354 = arith.cmpi eq, %shift_right_logical3A_228, %eq3A_353 : vector<16xi32>
      %select_n3A_355 = arith.select %eq3A_354, %gather3A_341, %select_n3A_324 : vector<16xi1>, vector<16xf32>
      %select_n3A_356 = arith.select %eq3A_354, %gather3A_351, %select_n3A_325 : vector<16xi1>, vector<16xf32>
      %get3A_357 = arith.constant 64 : index
      %get3A_358 = tpu.vector_load %arg10[%get3A_357] {strides = array<i32>} : memref<128xf32, #tpu.memory_space<vmem>>, vector<16xf32>,
      %get3A_359 = vector.shape_cast %get3A_358 : vector<16xf32> to vector<16xf32>
      %get3A_360 = arith.constant 64 : index
      %get3A_361 = tpu.vector_load %arg11[%get3A_360] {strides = array<i32>} : memref<128xf32, #tpu.memory_space<vmem>>, vector<16xf32>,
      %get3A_362 = vector.shape_cast %get3A_361 : vector<16xf32> to vector<16xf32>
      %lt3A_363 = arith.constant 0 : i32
      %lt3A_364 = vector.broadcast %lt3A_363 : i32 to vector<16xi32>
      %lt3A_365 = arith.cmpi slt, %and3A_225, %lt3A_364 : vector<16xi32>
      %add3A_366 = arith.constant 16 : i32
      %add3A_367 = vector.broadcast %add3A_366 : i32 to vector<16xi32>
      %add3A_368 = arith.addi %and3A_225, %add3A_367 : vector<16xi32>
      %select_n3A_369 = arith.select %lt3A_365, %add3A_368, %and3A_225 : vector<16xi1>, vector<16xi32>
      %broadcast_in_dim3A_370 = vector.shape_cast %select_n3A_369 : vector<16xi32> to vector<16x1xi32>
      %gather3A_371 = vector.shape_cast %broadcast_in_dim3A_370 : vector<16x1xi32> to vector<16xi32>
      %gather3A_372 = tpu.dynamic_gather %get3A_359[%gather3A_371] in [0] : vector<16xf32>, vector<16xi32> -> vector<16xf32>
      %lt3A_373 = arith.constant 0 : i32
      %lt3A_374 = vector.broadcast %lt3A_373 : i32 to vector<16xi32>
      %lt3A_375 = arith.cmpi slt, %and3A_225, %lt3A_374 : vector<16xi32>
      %add3A_376 = arith.constant 16 : i32
      %add3A_377 = vector.broadcast %add3A_376 : i32 to vector<16xi32>
      %add3A_378 = arith.addi %and3A_225, %add3A_377 : vector<16xi32>
      %select_n3A_379 = arith.select %lt3A_375, %add3A_378, %and3A_225 : vector<16xi1>, vector<16xi32>
      %broadcast_in_dim3A_380 = vector.shape_cast %select_n3A_379 : vector<16xi32> to vector<16x1xi32>
      %gather3A_381 = vector.shape_cast %broadcast_in_dim3A_380 : vector<16x1xi32> to vector<16xi32>
      %gather3A_382 = tpu.dynamic_gather %get3A_362[%gather3A_381] in [0] : vector<16xf32>, vector<16xi32> -> vector<16xf32>
      %eq3A_383 = arith.constant 4 : i32
      %eq3A_384 = vector.broadcast %eq3A_383 : i32 to vector<16xi32>
      %eq3A_385 = arith.cmpi eq, %shift_right_logical3A_228, %eq3A_384 : vector<16xi32>
      %select_n3A_386 = arith.select %eq3A_385, %gather3A_372, %select_n3A_355 : vector<16xi1>, vector<16xf32>
      %select_n3A_387 = arith.select %eq3A_385, %gather3A_382, %select_n3A_356 : vector<16xi1>, vector<16xf32>
      %get3A_388 = arith.constant 80 : index
      %get3A_389 = tpu.vector_load %arg10[%get3A_388] {strides = array<i32>} : memref<128xf32, #tpu.memory_space<vmem>>, vector<16xf32>,
      %get3A_390 = vector.shape_cast %get3A_389 : vector<16xf32> to vector<16xf32>
      %get3A_391 = arith.constant 80 : index
      %get3A_392 = tpu.vector_load %arg11[%get3A_391] {strides = array<i32>} : memref<128xf32, #tpu.memory_space<vmem>>, vector<16xf32>,
      %get3A_393 = vector.shape_cast %get3A_392 : vector<16xf32> to vector<16xf32>
      %lt3A_394 = arith.constant 0 : i32
      %lt3A_395 = vector.broadcast %lt3A_394 : i32 to vector<16xi32>
      %lt3A_396 = arith.cmpi slt, %and3A_225, %lt3A_395 : vector<16xi32>
      %add3A_397 = arith.constant 16 : i32
      %add3A_398 = vector.broadcast %add3A_397 : i32 to vector<16xi32>
      %add3A_399 = arith.addi %and3A_225, %add3A_398 : vector<16xi32>
      %select_n3A_400 = arith.select %lt3A_396, %add3A_399, %and3A_225 : vector<16xi1>, vector<16xi32>
      %broadcast_in_dim3A_401 = vector.shape_cast %select_n3A_400 : vector<16xi32> to vector<16x1xi32>
      %gather3A_402 = vector.shape_cast %broadcast_in_dim3A_401 : vector<16x1xi32> to vector<16xi32>
      %gather3A_403 = tpu.dynamic_gather %get3A_390[%gather3A_402] in [0] : vector<16xf32>, vector<16xi32> -> vector<16xf32>
      %lt3A_404 = arith.constant 0 : i32
      %lt3A_405 = vector.broadcast %lt3A_404 : i32 to vector<16xi32>
      %lt3A_406 = arith.cmpi slt, %and3A_225, %lt3A_405 : vector<16xi32>
      %add3A_407 = arith.constant 16 : i32
      %add3A_408 = vector.broadcast %add3A_407 : i32 to vector<16xi32>
      %add3A_409 = arith.addi %and3A_225, %add3A_408 : vector<16xi32>
      %select_n3A_410 = arith.select %lt3A_406, %add3A_409, %and3A_225 : vector<16xi1>, vector<16xi32>
      %broadcast_in_dim3A_411 = vector.shape_cast %select_n3A_410 : vector<16xi32> to vector<16x1xi32>
      %gather3A_412 = vector.shape_cast %broadcast_in_dim3A_411 : vector<16x1xi32> to vector<16xi32>
      %gather3A_413 = tpu.dynamic_gather %get3A_393[%gather3A_412] in [0] : vector<16xf32>, vector<16xi32> -> vector<16xf32>
      %eq3A_414 = arith.constant 5 : i32
      %eq3A_415 = vector.broadcast %eq3A_414 : i32 to vector<16xi32>
      %eq3A_416 = arith.cmpi eq, %shift_right_logical3A_228, %eq3A_415 : vector<16xi32>
      %select_n3A_417 = arith.select %eq3A_416, %gather3A_403, %select_n3A_386 : vector<16xi1>, vector<16xf32>
      %select_n3A_418 = arith.select %eq3A_416, %gather3A_413, %select_n3A_387 : vector<16xi1>, vector<16xf32>
      %swap3A_419 = arith.index_cast %add3A_219 : i32 to index
      %swap3A_420 = tpu.vector_load %arg8[%swap3A_419] {strides = array<i32>} : memref<1024xf32, #tpu.memory_space<vmem>>, vector<16xf32>,
      %swap3A_421 = vector.shape_cast %swap3A_420 : vector<16xf32> to vector<16xf32>
      %swap3A_422 = vector.shape_cast %select_n3A_417 : vector<16xf32> to vector<16xf32>
      tpu.vector_store %arg8[%swap3A_419], %swap3A_422 {strides = array<i32>} : memref<1024xf32, #tpu.memory_space<vmem>>, vector<16xf32>,
      %swap3A_423 = arith.index_cast %add3A_219 : i32 to index
      %swap3A_424 = tpu.vector_load %arg9[%swap3A_423] {strides = array<i32>} : memref<1024xf32, #tpu.memory_space<vmem>>, vector<16xf32>,
      %swap3A_425 = vector.shape_cast %swap3A_424 : vector<16xf32> to vector<16xf32>
      %swap3A_426 = vector.shape_cast %select_n3A_418 : vector<16xf32> to vector<16xf32>
      tpu.vector_store %arg9[%swap3A_423], %swap3A_426 {strides = array<i32>} : memref<1024xf32, #tpu.memory_space<vmem>>, vector<16xf32>,
    }
    "tpu.region"() ({
      %run_scoped3A = tpu.sem_alloc : memref<!tpu.dma_semaphore, #tpu.memory_space<semaphore_mem>>
      %dma_start3A = tpu.memref_slice %arg5[%mul3A_2] : memref<32768xf32, #tpu.memory_space<hbm>> -> memref<1024xf32, #tpu.memory_space<hbm>>
      %dma_start3A_13 = tpu.memref_slice %arg5[%mul3A_2] : memref<32768xf32, #tpu.memory_space<hbm>> -> memref<1024xf32, #tpu.memory_space<hbm>>
      tpu.enqueue_dma source(%arg8 : memref<1024xf32, #tpu.memory_space<vmem>>) target(%dma_start3A_13 : memref<1024xf32, #tpu.memory_space<hbm>>) target_semaphore(%run_scoped3A : memref<!tpu.dma_semaphore, #tpu.memory_space<semaphore_mem>>)
      %dma_wait3A = tpu.memref_slice %arg5[%mul3A_2] : memref<32768xf32, #tpu.memory_space<hbm>> -> memref<1024xf32, #tpu.memory_space<hbm>>
      %dma_wait3A_14 = tpu.memref_slice %arg5[%mul3A_2] : memref<32768xf32, #tpu.memory_space<hbm>> -> memref<1024xf32, #tpu.memory_space<hbm>>
      tpu.wait_dma2 semaphore(%run_scoped3A : memref<!tpu.dma_semaphore, #tpu.memory_space<semaphore_mem>>) src(%arg8 : memref<1024xf32, #tpu.memory_space<vmem>>) dst(%dma_wait3A_14 : memref<1024xf32, #tpu.memory_space<hbm>>)
      tpu.yield
    }) : () -> ()
    "tpu.region"() ({
      %run_scoped3A = tpu.sem_alloc : memref<!tpu.dma_semaphore, #tpu.memory_space<semaphore_mem>>
      %dma_start3A = tpu.memref_slice %arg6[%mul3A_2] : memref<32768xf32, #tpu.memory_space<hbm>> -> memref<1024xf32, #tpu.memory_space<hbm>>
      %dma_start3A_13 = tpu.memref_slice %arg6[%mul3A_2] : memref<32768xf32, #tpu.memory_space<hbm>> -> memref<1024xf32, #tpu.memory_space<hbm>>
      tpu.enqueue_dma source(%arg9 : memref<1024xf32, #tpu.memory_space<vmem>>) target(%dma_start3A_13 : memref<1024xf32, #tpu.memory_space<hbm>>) target_semaphore(%run_scoped3A : memref<!tpu.dma_semaphore, #tpu.memory_space<semaphore_mem>>)
      %dma_wait3A = tpu.memref_slice %arg6[%mul3A_2] : memref<32768xf32, #tpu.memory_space<hbm>> -> memref<1024xf32, #tpu.memory_space<hbm>>
      %dma_wait3A_14 = tpu.memref_slice %arg6[%mul3A_2] : memref<32768xf32, #tpu.memory_space<hbm>> -> memref<1024xf32, #tpu.memory_space<hbm>>
      tpu.wait_dma2 semaphore(%run_scoped3A : memref<!tpu.dma_semaphore, #tpu.memory_space<semaphore_mem>>) src(%arg9 : memref<1024xf32, #tpu.memory_space<vmem>>) dst(%dma_wait3A_14 : memref<1024xf32, #tpu.memory_space<hbm>>)
      tpu.yield
    }) : () -> ()
    return
  }
}

module attributes {stable_mosaic.version = 14 : i64} {
  func.func @_tc_body(%arg0: i32, %arg1: memref<64x1x512xf32, #tpu.memory_space<vmem>>, %arg2: memref<64x1x512xf32, #tpu.memory_space<vmem>>, %arg3: memref<8x512x512xf32, #tpu.memory_space<vmem>>, %arg4: memref<8x1x1xf32, #tpu.memory_space<vmem>>) attributes {dimension_semantics = [#tpu.dimension_semantics<arbitrary>], iteration_bounds = array<i64: 8>, scalar_prefetch = 0 : i64, scratch_operands = 0 : i64, tpu.core_type = #tpu.core_type<tc>, window_params = [{pipeline_mode = #tpu.pipeline_mode<synchronous>, transform_indices = @transform_0, window_bounds = array<i64: 64, 1, 512>}, {pipeline_mode = #tpu.pipeline_mode<synchronous>, transform_indices = @transform_1, window_bounds = array<i64: 64, 1, 512>}, {transform_indices = @transform_2, window_bounds = array<i64: 8, 512, 512>}, {transform_indices = @transform_3, window_bounds = array<i64: 8, 1, 1>}]} {
    %mul3A = arith.constant 8 : i32
    %mul3A_0 = arith.muli %arg0, %mul3A : i32
    %add3A = arith.constant 0 : i32
    %add3A_1 = arith.addi %mul3A_0, %add3A : i32
    %get3A = arith.index_cast %add3A_1 : i32 to index
    %get3A_2 = arith.constant 0 : index
    %get3A_3 = arith.constant 0 : index
    %get3A_4 = vector.load %arg1[%get3A, %get3A_2, %get3A_3] : memref<64x1x512xf32, #tpu.memory_space<vmem>>, vector<1x1x512xf32>
    %get3A_5 = vector.shape_cast %get3A_4 : vector<1x1x512xf32> to vector<1x512xf32>
    %mul3A_6 = arith.constant -0.693147182 : f32
    %mul3A_7 = vector.broadcast %mul3A_6 : f32 to vector<1x512xf32>
    %mul3A_8 = arith.mulf %get3A_5, %mul3A_7 : vector<1x512xf32>
    %add3A_9 = arith.constant 0 : i32
    %add3A_10 = arith.addi %mul3A_0, %add3A_9 : i32
    %get3A_11 = arith.index_cast %add3A_10 : i32 to index
    %get3A_12 = arith.constant 0 : index
    %get3A_13 = arith.constant 0 : index
    %get3A_14 = vector.load %arg2[%get3A_11, %get3A_12, %get3A_13] : memref<64x1x512xf32, #tpu.memory_space<vmem>>, vector<1x1x512xf32>
    %get3A_15 = vector.shape_cast %get3A_14 : vector<1x1x512xf32> to vector<1x512xf32>
    %get3A_16 = arith.constant 0 : index
    %get3A_17 = arith.constant 0 : index
    %get3A_18 = arith.constant 0 : index
    %get3A_19 = vector.load %arg3[%get3A_16, %get3A_17, %get3A_18] : memref<8x512x512xf32, #tpu.memory_space<vmem>>, vector<1x512x512xf32>
    %get3A_20 = vector.shape_cast %get3A_19 : vector<1x512x512xf32> to vector<512x512xf32>
    %reshape3A = vector.shape_cast %get3A_5 : vector<1x512xf32> to vector<512x1xf32>
    %reshape3A_21 = vector.shape_cast %get3A_15 : vector<1x512xf32> to vector<512x1xf32>
    %mul3A_22 = vector.broadcast %reshape3A : vector<512x1xf32> to vector<512x512xf32>
    %mul3A_23 = vector.broadcast %mul3A_8 : vector<1x512xf32> to vector<512x512xf32>
    %mul3A_24 = arith.mulf %mul3A_22, %mul3A_23 : vector<512x512xf32>
    %mul3A_25 = vector.broadcast %reshape3A_21 : vector<512x1xf32> to vector<512x512xf32>
    %mul3A_26 = vector.broadcast %get3A_15 : vector<1x512xf32> to vector<512x512xf32>
    %mul3A_27 = arith.mulf %mul3A_25, %mul3A_26 : vector<512x512xf32>
    %rsqrt3A = math.rsqrt %get3A_20 : vector<512x512xf32>
    %mul3A_28 = arith.mulf %get3A_20, %rsqrt3A : vector<512x512xf32>
    %mul3A_29 = arith.mulf %get3A_20, %mul3A_28 : vector<512x512xf32>
    %mul3A_30 = arith.mulf %mul3A_24, %mul3A_29 : vector<512x512xf32>
    %exp23A = math.exp2 %mul3A_30 : vector<512x512xf32>
    %mul3A_31 = arith.mulf %exp23A, %mul3A_27 : vector<512x512xf32>
    %mul3A_32 = arith.mulf %rsqrt3A, %rsqrt3A : vector<512x512xf32>
    %mul3A_33 = arith.mulf %mul3A_31, %mul3A_32 : vector<512x512xf32>
    %reduce_sum3A = vector.shape_cast %mul3A_33 : vector<512x512xf32> to vector<1x512x512xf32>
    %reduce_sum3A_34 = arith.constant dense<0.000000e+00> : vector<1xf32>
    %reduce_sum3A_35 = vector.multi_reduction <add>, %reduce_sum3A, %reduce_sum3A_34 [1, 2] : vector<1x512x512xf32> to vector<1xf32>
    %reduce_sum3A_36 = vector.shape_cast %reduce_sum3A_35 : vector<1xf32> to vector<1x1x1xf32>
    %reduce_sum3A_37 = vector.extract %reduce_sum3A_36[0, 0, 0] : f32 from vector<1x1x1xf32>
    %broadcast_in_dim3A = vector.broadcast %reduce_sum3A_37 : f32 to vector<1x1xf32>
    %swap3A = arith.constant 0 : index
    %swap3A_38 = arith.constant 0 : index
    %swap3A_39 = arith.constant 0 : index
    %swap3A_40 = vector.load %arg4[%swap3A, %swap3A_38, %swap3A_39] : memref<8x1x1xf32, #tpu.memory_space<vmem>>, vector<1x1x1xf32>
    %swap3A_41 = vector.shape_cast %swap3A_40 : vector<1x1x1xf32> to vector<1x1xf32>
    %swap3A_42 = vector.shape_cast %broadcast_in_dim3A : vector<1x1xf32> to vector<1x1x1xf32>
    tpu.vector_store %arg4[%swap3A, %swap3A_38, %swap3A_39], %swap3A_42 {strides = array<i32>} : memref<8x1x1xf32, #tpu.memory_space<vmem>>, vector<1x1x1xf32>,
    %add3A_43 = arith.constant 1 : i32
    %add3A_44 = arith.addi %mul3A_0, %add3A_43 : i32
    %get3A_45 = arith.index_cast %add3A_44 : i32 to index
    %get3A_46 = arith.constant 0 : index
    %get3A_47 = arith.constant 0 : index
    %get3A_48 = vector.load %arg1[%get3A_45, %get3A_46, %get3A_47] : memref<64x1x512xf32, #tpu.memory_space<vmem>>, vector<1x1x512xf32>
    %get3A_49 = vector.shape_cast %get3A_48 : vector<1x1x512xf32> to vector<1x512xf32>
    %mul3A_50 = arith.constant -0.693147182 : f32
    %mul3A_51 = vector.broadcast %mul3A_50 : f32 to vector<1x512xf32>
    %mul3A_52 = arith.mulf %get3A_49, %mul3A_51 : vector<1x512xf32>
    %add3A_53 = arith.constant 1 : i32
    %add3A_54 = arith.addi %mul3A_0, %add3A_53 : i32
    %get3A_55 = arith.index_cast %add3A_54 : i32 to index
    %get3A_56 = arith.constant 0 : index
    %get3A_57 = arith.constant 0 : index
    %get3A_58 = vector.load %arg2[%get3A_55, %get3A_56, %get3A_57] : memref<64x1x512xf32, #tpu.memory_space<vmem>>, vector<1x1x512xf32>
    %get3A_59 = vector.shape_cast %get3A_58 : vector<1x1x512xf32> to vector<1x512xf32>
    %get3A_60 = arith.constant 1 : index
    %get3A_61 = arith.constant 0 : index
    %get3A_62 = arith.constant 0 : index
    %get3A_63 = vector.load %arg3[%get3A_60, %get3A_61, %get3A_62] : memref<8x512x512xf32, #tpu.memory_space<vmem>>, vector<1x512x512xf32>
    %get3A_64 = vector.shape_cast %get3A_63 : vector<1x512x512xf32> to vector<512x512xf32>
    %reshape3A_65 = vector.shape_cast %get3A_49 : vector<1x512xf32> to vector<512x1xf32>
    %reshape3A_66 = vector.shape_cast %get3A_59 : vector<1x512xf32> to vector<512x1xf32>
    %mul3A_67 = vector.broadcast %reshape3A_65 : vector<512x1xf32> to vector<512x512xf32>
    %mul3A_68 = vector.broadcast %mul3A_52 : vector<1x512xf32> to vector<512x512xf32>
    %mul3A_69 = arith.mulf %mul3A_67, %mul3A_68 : vector<512x512xf32>
    %mul3A_70 = vector.broadcast %reshape3A_66 : vector<512x1xf32> to vector<512x512xf32>
    %mul3A_71 = vector.broadcast %get3A_59 : vector<1x512xf32> to vector<512x512xf32>
    %mul3A_72 = arith.mulf %mul3A_70, %mul3A_71 : vector<512x512xf32>
    %rsqrt3A_73 = math.rsqrt %get3A_64 : vector<512x512xf32>
    %mul3A_74 = arith.mulf %get3A_64, %rsqrt3A_73 : vector<512x512xf32>
    %mul3A_75 = arith.mulf %get3A_64, %mul3A_74 : vector<512x512xf32>
    %mul3A_76 = arith.mulf %mul3A_69, %mul3A_75 : vector<512x512xf32>
    %exp23A_77 = math.exp2 %mul3A_76 : vector<512x512xf32>
    %mul3A_78 = arith.mulf %exp23A_77, %mul3A_72 : vector<512x512xf32>
    %mul3A_79 = arith.mulf %rsqrt3A_73, %rsqrt3A_73 : vector<512x512xf32>
    %mul3A_80 = arith.mulf %mul3A_78, %mul3A_79 : vector<512x512xf32>
    %reduce_sum3A_81 = vector.shape_cast %mul3A_80 : vector<512x512xf32> to vector<1x512x512xf32>
    %reduce_sum3A_82 = arith.constant dense<0.000000e+00> : vector<1xf32>
    %reduce_sum3A_83 = vector.multi_reduction <add>, %reduce_sum3A_81, %reduce_sum3A_82 [1, 2] : vector<1x512x512xf32> to vector<1xf32>
    %reduce_sum3A_84 = vector.shape_cast %reduce_sum3A_83 : vector<1xf32> to vector<1x1x1xf32>
    %reduce_sum3A_85 = vector.extract %reduce_sum3A_84[0, 0, 0] : f32 from vector<1x1x1xf32>
    %broadcast_in_dim3A_86 = vector.broadcast %reduce_sum3A_85 : f32 to vector<1x1xf32>
    %swap3A_87 = arith.constant 1 : index
    %swap3A_88 = arith.constant 0 : index
    %swap3A_89 = arith.constant 0 : index
    %swap3A_90 = vector.load %arg4[%swap3A_87, %swap3A_88, %swap3A_89] : memref<8x1x1xf32, #tpu.memory_space<vmem>>, vector<1x1x1xf32>
    %swap3A_91 = vector.shape_cast %swap3A_90 : vector<1x1x1xf32> to vector<1x1xf32>
    %swap3A_92 = vector.shape_cast %broadcast_in_dim3A_86 : vector<1x1xf32> to vector<1x1x1xf32>
    tpu.vector_store %arg4[%swap3A_87, %swap3A_88, %swap3A_89], %swap3A_92 {strides = array<i32>} : memref<8x1x1xf32, #tpu.memory_space<vmem>>, vector<1x1x1xf32>,
    %add3A_93 = arith.constant 2 : i32
    %add3A_94 = arith.addi %mul3A_0, %add3A_93 : i32
    %get3A_95 = arith.index_cast %add3A_94 : i32 to index
    %get3A_96 = arith.constant 0 : index
    %get3A_97 = arith.constant 0 : index
    %get3A_98 = vector.load %arg1[%get3A_95, %get3A_96, %get3A_97] : memref<64x1x512xf32, #tpu.memory_space<vmem>>, vector<1x1x512xf32>
    %get3A_99 = vector.shape_cast %get3A_98 : vector<1x1x512xf32> to vector<1x512xf32>
    %mul3A_100 = arith.constant -0.693147182 : f32
    %mul3A_101 = vector.broadcast %mul3A_100 : f32 to vector<1x512xf32>
    %mul3A_102 = arith.mulf %get3A_99, %mul3A_101 : vector<1x512xf32>
    %add3A_103 = arith.constant 2 : i32
    %add3A_104 = arith.addi %mul3A_0, %add3A_103 : i32
    %get3A_105 = arith.index_cast %add3A_104 : i32 to index
    %get3A_106 = arith.constant 0 : index
    %get3A_107 = arith.constant 0 : index
    %get3A_108 = vector.load %arg2[%get3A_105, %get3A_106, %get3A_107] : memref<64x1x512xf32, #tpu.memory_space<vmem>>, vector<1x1x512xf32>
    %get3A_109 = vector.shape_cast %get3A_108 : vector<1x1x512xf32> to vector<1x512xf32>
    %get3A_110 = arith.constant 2 : index
    %get3A_111 = arith.constant 0 : index
    %get3A_112 = arith.constant 0 : index
    %get3A_113 = vector.load %arg3[%get3A_110, %get3A_111, %get3A_112] : memref<8x512x512xf32, #tpu.memory_space<vmem>>, vector<1x512x512xf32>
    %get3A_114 = vector.shape_cast %get3A_113 : vector<1x512x512xf32> to vector<512x512xf32>
    %reshape3A_115 = vector.shape_cast %get3A_99 : vector<1x512xf32> to vector<512x1xf32>
    %reshape3A_116 = vector.shape_cast %get3A_109 : vector<1x512xf32> to vector<512x1xf32>
    %mul3A_117 = vector.broadcast %reshape3A_115 : vector<512x1xf32> to vector<512x512xf32>
    %mul3A_118 = vector.broadcast %mul3A_102 : vector<1x512xf32> to vector<512x512xf32>
    %mul3A_119 = arith.mulf %mul3A_117, %mul3A_118 : vector<512x512xf32>
    %mul3A_120 = vector.broadcast %reshape3A_116 : vector<512x1xf32> to vector<512x512xf32>
    %mul3A_121 = vector.broadcast %get3A_109 : vector<1x512xf32> to vector<512x512xf32>
    %mul3A_122 = arith.mulf %mul3A_120, %mul3A_121 : vector<512x512xf32>
    %rsqrt3A_123 = math.rsqrt %get3A_114 : vector<512x512xf32>
    %mul3A_124 = arith.mulf %get3A_114, %rsqrt3A_123 : vector<512x512xf32>
    %mul3A_125 = arith.mulf %get3A_114, %mul3A_124 : vector<512x512xf32>
    %mul3A_126 = arith.mulf %mul3A_119, %mul3A_125 : vector<512x512xf32>
    %exp23A_127 = math.exp2 %mul3A_126 : vector<512x512xf32>
    %mul3A_128 = arith.mulf %exp23A_127, %mul3A_122 : vector<512x512xf32>
    %mul3A_129 = arith.mulf %rsqrt3A_123, %rsqrt3A_123 : vector<512x512xf32>
    %mul3A_130 = arith.mulf %mul3A_128, %mul3A_129 : vector<512x512xf32>
    %reduce_sum3A_131 = vector.shape_cast %mul3A_130 : vector<512x512xf32> to vector<1x512x512xf32>
    %reduce_sum3A_132 = arith.constant dense<0.000000e+00> : vector<1xf32>
    %reduce_sum3A_133 = vector.multi_reduction <add>, %reduce_sum3A_131, %reduce_sum3A_132 [1, 2] : vector<1x512x512xf32> to vector<1xf32>
    %reduce_sum3A_134 = vector.shape_cast %reduce_sum3A_133 : vector<1xf32> to vector<1x1x1xf32>
    %reduce_sum3A_135 = vector.extract %reduce_sum3A_134[0, 0, 0] : f32 from vector<1x1x1xf32>
    %broadcast_in_dim3A_136 = vector.broadcast %reduce_sum3A_135 : f32 to vector<1x1xf32>
    %swap3A_137 = arith.constant 2 : index
    %swap3A_138 = arith.constant 0 : index
    %swap3A_139 = arith.constant 0 : index
    %swap3A_140 = vector.load %arg4[%swap3A_137, %swap3A_138, %swap3A_139] : memref<8x1x1xf32, #tpu.memory_space<vmem>>, vector<1x1x1xf32>
    %swap3A_141 = vector.shape_cast %swap3A_140 : vector<1x1x1xf32> to vector<1x1xf32>
    %swap3A_142 = vector.shape_cast %broadcast_in_dim3A_136 : vector<1x1xf32> to vector<1x1x1xf32>
    tpu.vector_store %arg4[%swap3A_137, %swap3A_138, %swap3A_139], %swap3A_142 {strides = array<i32>} : memref<8x1x1xf32, #tpu.memory_space<vmem>>, vector<1x1x1xf32>,
    %add3A_143 = arith.constant 3 : i32
    %add3A_144 = arith.addi %mul3A_0, %add3A_143 : i32
    %get3A_145 = arith.index_cast %add3A_144 : i32 to index
    %get3A_146 = arith.constant 0 : index
    %get3A_147 = arith.constant 0 : index
    %get3A_148 = vector.load %arg1[%get3A_145, %get3A_146, %get3A_147] : memref<64x1x512xf32, #tpu.memory_space<vmem>>, vector<1x1x512xf32>
    %get3A_149 = vector.shape_cast %get3A_148 : vector<1x1x512xf32> to vector<1x512xf32>
    %mul3A_150 = arith.constant -0.693147182 : f32
    %mul3A_151 = vector.broadcast %mul3A_150 : f32 to vector<1x512xf32>
    %mul3A_152 = arith.mulf %get3A_149, %mul3A_151 : vector<1x512xf32>
    %add3A_153 = arith.constant 3 : i32
    %add3A_154 = arith.addi %mul3A_0, %add3A_153 : i32
    %get3A_155 = arith.index_cast %add3A_154 : i32 to index
    %get3A_156 = arith.constant 0 : index
    %get3A_157 = arith.constant 0 : index
    %get3A_158 = vector.load %arg2[%get3A_155, %get3A_156, %get3A_157] : memref<64x1x512xf32, #tpu.memory_space<vmem>>, vector<1x1x512xf32>
    %get3A_159 = vector.shape_cast %get3A_158 : vector<1x1x512xf32> to vector<1x512xf32>
    %get3A_160 = arith.constant 3 : index
    %get3A_161 = arith.constant 0 : index
    %get3A_162 = arith.constant 0 : index
    %get3A_163 = vector.load %arg3[%get3A_160, %get3A_161, %get3A_162] : memref<8x512x512xf32, #tpu.memory_space<vmem>>, vector<1x512x512xf32>
    %get3A_164 = vector.shape_cast %get3A_163 : vector<1x512x512xf32> to vector<512x512xf32>
    %reshape3A_165 = vector.shape_cast %get3A_149 : vector<1x512xf32> to vector<512x1xf32>
    %reshape3A_166 = vector.shape_cast %get3A_159 : vector<1x512xf32> to vector<512x1xf32>
    %mul3A_167 = vector.broadcast %reshape3A_165 : vector<512x1xf32> to vector<512x512xf32>
    %mul3A_168 = vector.broadcast %mul3A_152 : vector<1x512xf32> to vector<512x512xf32>
    %mul3A_169 = arith.mulf %mul3A_167, %mul3A_168 : vector<512x512xf32>
    %mul3A_170 = vector.broadcast %reshape3A_166 : vector<512x1xf32> to vector<512x512xf32>
    %mul3A_171 = vector.broadcast %get3A_159 : vector<1x512xf32> to vector<512x512xf32>
    %mul3A_172 = arith.mulf %mul3A_170, %mul3A_171 : vector<512x512xf32>
    %rsqrt3A_173 = math.rsqrt %get3A_164 : vector<512x512xf32>
    %mul3A_174 = arith.mulf %get3A_164, %rsqrt3A_173 : vector<512x512xf32>
    %mul3A_175 = arith.mulf %get3A_164, %mul3A_174 : vector<512x512xf32>
    %mul3A_176 = arith.mulf %mul3A_169, %mul3A_175 : vector<512x512xf32>
    %exp23A_177 = math.exp2 %mul3A_176 : vector<512x512xf32>
    %mul3A_178 = arith.mulf %exp23A_177, %mul3A_172 : vector<512x512xf32>
    %mul3A_179 = arith.mulf %rsqrt3A_173, %rsqrt3A_173 : vector<512x512xf32>
    %mul3A_180 = arith.mulf %mul3A_178, %mul3A_179 : vector<512x512xf32>
    %reduce_sum3A_181 = vector.shape_cast %mul3A_180 : vector<512x512xf32> to vector<1x512x512xf32>
    %reduce_sum3A_182 = arith.constant dense<0.000000e+00> : vector<1xf32>
    %reduce_sum3A_183 = vector.multi_reduction <add>, %reduce_sum3A_181, %reduce_sum3A_182 [1, 2] : vector<1x512x512xf32> to vector<1xf32>
    %reduce_sum3A_184 = vector.shape_cast %reduce_sum3A_183 : vector<1xf32> to vector<1x1x1xf32>
    %reduce_sum3A_185 = vector.extract %reduce_sum3A_184[0, 0, 0] : f32 from vector<1x1x1xf32>
    %broadcast_in_dim3A_186 = vector.broadcast %reduce_sum3A_185 : f32 to vector<1x1xf32>
    %swap3A_187 = arith.constant 3 : index
    %swap3A_188 = arith.constant 0 : index
    %swap3A_189 = arith.constant 0 : index
    %swap3A_190 = vector.load %arg4[%swap3A_187, %swap3A_188, %swap3A_189] : memref<8x1x1xf32, #tpu.memory_space<vmem>>, vector<1x1x1xf32>
    %swap3A_191 = vector.shape_cast %swap3A_190 : vector<1x1x1xf32> to vector<1x1xf32>
    %swap3A_192 = vector.shape_cast %broadcast_in_dim3A_186 : vector<1x1xf32> to vector<1x1x1xf32>
    tpu.vector_store %arg4[%swap3A_187, %swap3A_188, %swap3A_189], %swap3A_192 {strides = array<i32>} : memref<8x1x1xf32, #tpu.memory_space<vmem>>, vector<1x1x1xf32>,
    %add3A_193 = arith.constant 4 : i32
    %add3A_194 = arith.addi %mul3A_0, %add3A_193 : i32
    %get3A_195 = arith.index_cast %add3A_194 : i32 to index
    %get3A_196 = arith.constant 0 : index
    %get3A_197 = arith.constant 0 : index
    %get3A_198 = vector.load %arg1[%get3A_195, %get3A_196, %get3A_197] : memref<64x1x512xf32, #tpu.memory_space<vmem>>, vector<1x1x512xf32>
    %get3A_199 = vector.shape_cast %get3A_198 : vector<1x1x512xf32> to vector<1x512xf32>
    %mul3A_200 = arith.constant -0.693147182 : f32
    %mul3A_201 = vector.broadcast %mul3A_200 : f32 to vector<1x512xf32>
    %mul3A_202 = arith.mulf %get3A_199, %mul3A_201 : vector<1x512xf32>
    %add3A_203 = arith.constant 4 : i32
    %add3A_204 = arith.addi %mul3A_0, %add3A_203 : i32
    %get3A_205 = arith.index_cast %add3A_204 : i32 to index
    %get3A_206 = arith.constant 0 : index
    %get3A_207 = arith.constant 0 : index
    %get3A_208 = vector.load %arg2[%get3A_205, %get3A_206, %get3A_207] : memref<64x1x512xf32, #tpu.memory_space<vmem>>, vector<1x1x512xf32>
    %get3A_209 = vector.shape_cast %get3A_208 : vector<1x1x512xf32> to vector<1x512xf32>
    %get3A_210 = arith.constant 4 : index
    %get3A_211 = arith.constant 0 : index
    %get3A_212 = arith.constant 0 : index
    %get3A_213 = vector.load %arg3[%get3A_210, %get3A_211, %get3A_212] : memref<8x512x512xf32, #tpu.memory_space<vmem>>, vector<1x512x512xf32>
    %get3A_214 = vector.shape_cast %get3A_213 : vector<1x512x512xf32> to vector<512x512xf32>
    %reshape3A_215 = vector.shape_cast %get3A_199 : vector<1x512xf32> to vector<512x1xf32>
    %reshape3A_216 = vector.shape_cast %get3A_209 : vector<1x512xf32> to vector<512x1xf32>
    %mul3A_217 = vector.broadcast %reshape3A_215 : vector<512x1xf32> to vector<512x512xf32>
    %mul3A_218 = vector.broadcast %mul3A_202 : vector<1x512xf32> to vector<512x512xf32>
    %mul3A_219 = arith.mulf %mul3A_217, %mul3A_218 : vector<512x512xf32>
    %mul3A_220 = vector.broadcast %reshape3A_216 : vector<512x1xf32> to vector<512x512xf32>
    %mul3A_221 = vector.broadcast %get3A_209 : vector<1x512xf32> to vector<512x512xf32>
    %mul3A_222 = arith.mulf %mul3A_220, %mul3A_221 : vector<512x512xf32>
    %rsqrt3A_223 = math.rsqrt %get3A_214 : vector<512x512xf32>
    %mul3A_224 = arith.mulf %get3A_214, %rsqrt3A_223 : vector<512x512xf32>
    %mul3A_225 = arith.mulf %get3A_214, %mul3A_224 : vector<512x512xf32>
    %mul3A_226 = arith.mulf %mul3A_219, %mul3A_225 : vector<512x512xf32>
    %exp23A_227 = math.exp2 %mul3A_226 : vector<512x512xf32>
    %mul3A_228 = arith.mulf %exp23A_227, %mul3A_222 : vector<512x512xf32>
    %mul3A_229 = arith.mulf %rsqrt3A_223, %rsqrt3A_223 : vector<512x512xf32>
    %mul3A_230 = arith.mulf %mul3A_228, %mul3A_229 : vector<512x512xf32>
    %reduce_sum3A_231 = vector.shape_cast %mul3A_230 : vector<512x512xf32> to vector<1x512x512xf32>
    %reduce_sum3A_232 = arith.constant dense<0.000000e+00> : vector<1xf32>
    %reduce_sum3A_233 = vector.multi_reduction <add>, %reduce_sum3A_231, %reduce_sum3A_232 [1, 2] : vector<1x512x512xf32> to vector<1xf32>
    %reduce_sum3A_234 = vector.shape_cast %reduce_sum3A_233 : vector<1xf32> to vector<1x1x1xf32>
    %reduce_sum3A_235 = vector.extract %reduce_sum3A_234[0, 0, 0] : f32 from vector<1x1x1xf32>
    %broadcast_in_dim3A_236 = vector.broadcast %reduce_sum3A_235 : f32 to vector<1x1xf32>
    %swap3A_237 = arith.constant 4 : index
    %swap3A_238 = arith.constant 0 : index
    %swap3A_239 = arith.constant 0 : index
    %swap3A_240 = vector.load %arg4[%swap3A_237, %swap3A_238, %swap3A_239] : memref<8x1x1xf32, #tpu.memory_space<vmem>>, vector<1x1x1xf32>
    %swap3A_241 = vector.shape_cast %swap3A_240 : vector<1x1x1xf32> to vector<1x1xf32>
    %swap3A_242 = vector.shape_cast %broadcast_in_dim3A_236 : vector<1x1xf32> to vector<1x1x1xf32>
    tpu.vector_store %arg4[%swap3A_237, %swap3A_238, %swap3A_239], %swap3A_242 {strides = array<i32>} : memref<8x1x1xf32, #tpu.memory_space<vmem>>, vector<1x1x1xf32>,
    %add3A_243 = arith.constant 5 : i32
    %add3A_244 = arith.addi %mul3A_0, %add3A_243 : i32
    %get3A_245 = arith.index_cast %add3A_244 : i32 to index
    %get3A_246 = arith.constant 0 : index
    %get3A_247 = arith.constant 0 : index
    %get3A_248 = vector.load %arg1[%get3A_245, %get3A_246, %get3A_247] : memref<64x1x512xf32, #tpu.memory_space<vmem>>, vector<1x1x512xf32>
    %get3A_249 = vector.shape_cast %get3A_248 : vector<1x1x512xf32> to vector<1x512xf32>
    %mul3A_250 = arith.constant -0.693147182 : f32
    %mul3A_251 = vector.broadcast %mul3A_250 : f32 to vector<1x512xf32>
    %mul3A_252 = arith.mulf %get3A_249, %mul3A_251 : vector<1x512xf32>
    %add3A_253 = arith.constant 5 : i32
    %add3A_254 = arith.addi %mul3A_0, %add3A_253 : i32
    %get3A_255 = arith.index_cast %add3A_254 : i32 to index
    %get3A_256 = arith.constant 0 : index
    %get3A_257 = arith.constant 0 : index
    %get3A_258 = vector.load %arg2[%get3A_255, %get3A_256, %get3A_257] : memref<64x1x512xf32, #tpu.memory_space<vmem>>, vector<1x1x512xf32>
    %get3A_259 = vector.shape_cast %get3A_258 : vector<1x1x512xf32> to vector<1x512xf32>
    %get3A_260 = arith.constant 5 : index
    %get3A_261 = arith.constant 0 : index
    %get3A_262 = arith.constant 0 : index
    %get3A_263 = vector.load %arg3[%get3A_260, %get3A_261, %get3A_262] : memref<8x512x512xf32, #tpu.memory_space<vmem>>, vector<1x512x512xf32>
    %get3A_264 = vector.shape_cast %get3A_263 : vector<1x512x512xf32> to vector<512x512xf32>
    %reshape3A_265 = vector.shape_cast %get3A_249 : vector<1x512xf32> to vector<512x1xf32>
    %reshape3A_266 = vector.shape_cast %get3A_259 : vector<1x512xf32> to vector<512x1xf32>
    %mul3A_267 = vector.broadcast %reshape3A_265 : vector<512x1xf32> to vector<512x512xf32>
    %mul3A_268 = vector.broadcast %mul3A_252 : vector<1x512xf32> to vector<512x512xf32>
    %mul3A_269 = arith.mulf %mul3A_267, %mul3A_268 : vector<512x512xf32>
    %mul3A_270 = vector.broadcast %reshape3A_266 : vector<512x1xf32> to vector<512x512xf32>
    %mul3A_271 = vector.broadcast %get3A_259 : vector<1x512xf32> to vector<512x512xf32>
    %mul3A_272 = arith.mulf %mul3A_270, %mul3A_271 : vector<512x512xf32>
    %rsqrt3A_273 = math.rsqrt %get3A_264 : vector<512x512xf32>
    %mul3A_274 = arith.mulf %get3A_264, %rsqrt3A_273 : vector<512x512xf32>
    %mul3A_275 = arith.mulf %get3A_264, %mul3A_274 : vector<512x512xf32>
    %mul3A_276 = arith.mulf %mul3A_269, %mul3A_275 : vector<512x512xf32>
    %exp23A_277 = math.exp2 %mul3A_276 : vector<512x512xf32>
    %mul3A_278 = arith.mulf %exp23A_277, %mul3A_272 : vector<512x512xf32>
    %mul3A_279 = arith.mulf %rsqrt3A_273, %rsqrt3A_273 : vector<512x512xf32>
    %mul3A_280 = arith.mulf %mul3A_278, %mul3A_279 : vector<512x512xf32>
    %reduce_sum3A_281 = vector.shape_cast %mul3A_280 : vector<512x512xf32> to vector<1x512x512xf32>
    %reduce_sum3A_282 = arith.constant dense<0.000000e+00> : vector<1xf32>
    %reduce_sum3A_283 = vector.multi_reduction <add>, %reduce_sum3A_281, %reduce_sum3A_282 [1, 2] : vector<1x512x512xf32> to vector<1xf32>
    %reduce_sum3A_284 = vector.shape_cast %reduce_sum3A_283 : vector<1xf32> to vector<1x1x1xf32>
    %reduce_sum3A_285 = vector.extract %reduce_sum3A_284[0, 0, 0] : f32 from vector<1x1x1xf32>
    %broadcast_in_dim3A_286 = vector.broadcast %reduce_sum3A_285 : f32 to vector<1x1xf32>
    %swap3A_287 = arith.constant 5 : index
    %swap3A_288 = arith.constant 0 : index
    %swap3A_289 = arith.constant 0 : index
    %swap3A_290 = vector.load %arg4[%swap3A_287, %swap3A_288, %swap3A_289] : memref<8x1x1xf32, #tpu.memory_space<vmem>>, vector<1x1x1xf32>
    %swap3A_291 = vector.shape_cast %swap3A_290 : vector<1x1x1xf32> to vector<1x1xf32>
    %swap3A_292 = vector.shape_cast %broadcast_in_dim3A_286 : vector<1x1xf32> to vector<1x1x1xf32>
    tpu.vector_store %arg4[%swap3A_287, %swap3A_288, %swap3A_289], %swap3A_292 {strides = array<i32>} : memref<8x1x1xf32, #tpu.memory_space<vmem>>, vector<1x1x1xf32>,
    %add3A_293 = arith.constant 6 : i32
    %add3A_294 = arith.addi %mul3A_0, %add3A_293 : i32
    %get3A_295 = arith.index_cast %add3A_294 : i32 to index
    %get3A_296 = arith.constant 0 : index
    %get3A_297 = arith.constant 0 : index
    %get3A_298 = vector.load %arg1[%get3A_295, %get3A_296, %get3A_297] : memref<64x1x512xf32, #tpu.memory_space<vmem>>, vector<1x1x512xf32>
    %get3A_299 = vector.shape_cast %get3A_298 : vector<1x1x512xf32> to vector<1x512xf32>
    %mul3A_300 = arith.constant -0.693147182 : f32
    %mul3A_301 = vector.broadcast %mul3A_300 : f32 to vector<1x512xf32>
    %mul3A_302 = arith.mulf %get3A_299, %mul3A_301 : vector<1x512xf32>
    %add3A_303 = arith.constant 6 : i32
    %add3A_304 = arith.addi %mul3A_0, %add3A_303 : i32
    %get3A_305 = arith.index_cast %add3A_304 : i32 to index
    %get3A_306 = arith.constant 0 : index
    %get3A_307 = arith.constant 0 : index
    %get3A_308 = vector.load %arg2[%get3A_305, %get3A_306, %get3A_307] : memref<64x1x512xf32, #tpu.memory_space<vmem>>, vector<1x1x512xf32>
    %get3A_309 = vector.shape_cast %get3A_308 : vector<1x1x512xf32> to vector<1x512xf32>
    %get3A_310 = arith.constant 6 : index
    %get3A_311 = arith.constant 0 : index
    %get3A_312 = arith.constant 0 : index
    %get3A_313 = vector.load %arg3[%get3A_310, %get3A_311, %get3A_312] : memref<8x512x512xf32, #tpu.memory_space<vmem>>, vector<1x512x512xf32>
    %get3A_314 = vector.shape_cast %get3A_313 : vector<1x512x512xf32> to vector<512x512xf32>
    %reshape3A_315 = vector.shape_cast %get3A_299 : vector<1x512xf32> to vector<512x1xf32>
    %reshape3A_316 = vector.shape_cast %get3A_309 : vector<1x512xf32> to vector<512x1xf32>
    %mul3A_317 = vector.broadcast %reshape3A_315 : vector<512x1xf32> to vector<512x512xf32>
    %mul3A_318 = vector.broadcast %mul3A_302 : vector<1x512xf32> to vector<512x512xf32>
    %mul3A_319 = arith.mulf %mul3A_317, %mul3A_318 : vector<512x512xf32>
    %mul3A_320 = vector.broadcast %reshape3A_316 : vector<512x1xf32> to vector<512x512xf32>
    %mul3A_321 = vector.broadcast %get3A_309 : vector<1x512xf32> to vector<512x512xf32>
    %mul3A_322 = arith.mulf %mul3A_320, %mul3A_321 : vector<512x512xf32>
    %rsqrt3A_323 = math.rsqrt %get3A_314 : vector<512x512xf32>
    %mul3A_324 = arith.mulf %get3A_314, %rsqrt3A_323 : vector<512x512xf32>
    %mul3A_325 = arith.mulf %get3A_314, %mul3A_324 : vector<512x512xf32>
    %mul3A_326 = arith.mulf %mul3A_319, %mul3A_325 : vector<512x512xf32>
    %exp23A_327 = math.exp2 %mul3A_326 : vector<512x512xf32>
    %mul3A_328 = arith.mulf %exp23A_327, %mul3A_322 : vector<512x512xf32>
    %mul3A_329 = arith.mulf %rsqrt3A_323, %rsqrt3A_323 : vector<512x512xf32>
    %mul3A_330 = arith.mulf %mul3A_328, %mul3A_329 : vector<512x512xf32>
    %reduce_sum3A_331 = vector.shape_cast %mul3A_330 : vector<512x512xf32> to vector<1x512x512xf32>
    %reduce_sum3A_332 = arith.constant dense<0.000000e+00> : vector<1xf32>
    %reduce_sum3A_333 = vector.multi_reduction <add>, %reduce_sum3A_331, %reduce_sum3A_332 [1, 2] : vector<1x512x512xf32> to vector<1xf32>
    %reduce_sum3A_334 = vector.shape_cast %reduce_sum3A_333 : vector<1xf32> to vector<1x1x1xf32>
    %reduce_sum3A_335 = vector.extract %reduce_sum3A_334[0, 0, 0] : f32 from vector<1x1x1xf32>
    %broadcast_in_dim3A_336 = vector.broadcast %reduce_sum3A_335 : f32 to vector<1x1xf32>
    %swap3A_337 = arith.constant 6 : index
    %swap3A_338 = arith.constant 0 : index
    %swap3A_339 = arith.constant 0 : index
    %swap3A_340 = vector.load %arg4[%swap3A_337, %swap3A_338, %swap3A_339] : memref<8x1x1xf32, #tpu.memory_space<vmem>>, vector<1x1x1xf32>
    %swap3A_341 = vector.shape_cast %swap3A_340 : vector<1x1x1xf32> to vector<1x1xf32>
    %swap3A_342 = vector.shape_cast %broadcast_in_dim3A_336 : vector<1x1xf32> to vector<1x1x1xf32>
    tpu.vector_store %arg4[%swap3A_337, %swap3A_338, %swap3A_339], %swap3A_342 {strides = array<i32>} : memref<8x1x1xf32, #tpu.memory_space<vmem>>, vector<1x1x1xf32>,
    %add3A_343 = arith.constant 7 : i32
    %add3A_344 = arith.addi %mul3A_0, %add3A_343 : i32
    %get3A_345 = arith.index_cast %add3A_344 : i32 to index
    %get3A_346 = arith.constant 0 : index
    %get3A_347 = arith.constant 0 : index
    %get3A_348 = vector.load %arg1[%get3A_345, %get3A_346, %get3A_347] : memref<64x1x512xf32, #tpu.memory_space<vmem>>, vector<1x1x512xf32>
    %get3A_349 = vector.shape_cast %get3A_348 : vector<1x1x512xf32> to vector<1x512xf32>
    %mul3A_350 = arith.constant -0.693147182 : f32
    %mul3A_351 = vector.broadcast %mul3A_350 : f32 to vector<1x512xf32>
    %mul3A_352 = arith.mulf %get3A_349, %mul3A_351 : vector<1x512xf32>
    %add3A_353 = arith.constant 7 : i32
    %add3A_354 = arith.addi %mul3A_0, %add3A_353 : i32
    %get3A_355 = arith.index_cast %add3A_354 : i32 to index
    %get3A_356 = arith.constant 0 : index
    %get3A_357 = arith.constant 0 : index
    %get3A_358 = vector.load %arg2[%get3A_355, %get3A_356, %get3A_357] : memref<64x1x512xf32, #tpu.memory_space<vmem>>, vector<1x1x512xf32>
    %get3A_359 = vector.shape_cast %get3A_358 : vector<1x1x512xf32> to vector<1x512xf32>
    %get3A_360 = arith.constant 7 : index
    %get3A_361 = arith.constant 0 : index
    %get3A_362 = arith.constant 0 : index
    %get3A_363 = vector.load %arg3[%get3A_360, %get3A_361, %get3A_362] : memref<8x512x512xf32, #tpu.memory_space<vmem>>, vector<1x512x512xf32>
    %get3A_364 = vector.shape_cast %get3A_363 : vector<1x512x512xf32> to vector<512x512xf32>
    %reshape3A_365 = vector.shape_cast %get3A_349 : vector<1x512xf32> to vector<512x1xf32>
    %reshape3A_366 = vector.shape_cast %get3A_359 : vector<1x512xf32> to vector<512x1xf32>
    %mul3A_367 = vector.broadcast %reshape3A_365 : vector<512x1xf32> to vector<512x512xf32>
    %mul3A_368 = vector.broadcast %mul3A_352 : vector<1x512xf32> to vector<512x512xf32>
    %mul3A_369 = arith.mulf %mul3A_367, %mul3A_368 : vector<512x512xf32>
    %mul3A_370 = vector.broadcast %reshape3A_366 : vector<512x1xf32> to vector<512x512xf32>
    %mul3A_371 = vector.broadcast %get3A_359 : vector<1x512xf32> to vector<512x512xf32>
    %mul3A_372 = arith.mulf %mul3A_370, %mul3A_371 : vector<512x512xf32>
    %rsqrt3A_373 = math.rsqrt %get3A_364 : vector<512x512xf32>
    %mul3A_374 = arith.mulf %get3A_364, %rsqrt3A_373 : vector<512x512xf32>
    %mul3A_375 = arith.mulf %get3A_364, %mul3A_374 : vector<512x512xf32>
    %mul3A_376 = arith.mulf %mul3A_369, %mul3A_375 : vector<512x512xf32>
    %exp23A_377 = math.exp2 %mul3A_376 : vector<512x512xf32>
    %mul3A_378 = arith.mulf %exp23A_377, %mul3A_372 : vector<512x512xf32>
    %mul3A_379 = arith.mulf %rsqrt3A_373, %rsqrt3A_373 : vector<512x512xf32>
    %mul3A_380 = arith.mulf %mul3A_378, %mul3A_379 : vector<512x512xf32>
    %reduce_sum3A_381 = vector.shape_cast %mul3A_380 : vector<512x512xf32> to vector<1x512x512xf32>
    %reduce_sum3A_382 = arith.constant dense<0.000000e+00> : vector<1xf32>
    %reduce_sum3A_383 = vector.multi_reduction <add>, %reduce_sum3A_381, %reduce_sum3A_382 [1, 2] : vector<1x512x512xf32> to vector<1xf32>
    %reduce_sum3A_384 = vector.shape_cast %reduce_sum3A_383 : vector<1xf32> to vector<1x1x1xf32>
    %reduce_sum3A_385 = vector.extract %reduce_sum3A_384[0, 0, 0] : f32 from vector<1x1x1xf32>
    %broadcast_in_dim3A_386 = vector.broadcast %reduce_sum3A_385 : f32 to vector<1x1xf32>
    %swap3A_387 = arith.constant 7 : index
    %swap3A_388 = arith.constant 0 : index
    %swap3A_389 = arith.constant 0 : index
    %swap3A_390 = vector.load %arg4[%swap3A_387, %swap3A_388, %swap3A_389] : memref<8x1x1xf32, #tpu.memory_space<vmem>>, vector<1x1x1xf32>
    %swap3A_391 = vector.shape_cast %swap3A_390 : vector<1x1x1xf32> to vector<1x1xf32>
    %swap3A_392 = vector.shape_cast %broadcast_in_dim3A_386 : vector<1x1xf32> to vector<1x1x1xf32>
    tpu.vector_store %arg4[%swap3A_387, %swap3A_388, %swap3A_389], %swap3A_392 {strides = array<i32>} : memref<8x1x1xf32, #tpu.memory_space<vmem>>, vector<1x1x1xf32>,
    return
  }
  func.func @transform_0(%arg0: i32) -> (i32, i32, i32) {
    %c0_i32 = arith.constant 0 : i32
    %c0_i32_0 = arith.constant 0 : i32
    %c0_i32_1 = arith.constant 0 : i32
    %c0_i32_2 = arith.constant 0 : i32
    return %c0_i32, %c0_i32_0, %c0_i32_1 : i32, i32, i32
  }
  func.func @transform_1(%arg0: i32) -> (i32, i32, i32) {
    %c0_i32 = arith.constant 0 : i32
    %c0_i32_0 = arith.constant 0 : i32
    %c0_i32_1 = arith.constant 0 : i32
    %c0_i32_2 = arith.constant 0 : i32
    return %c0_i32, %c0_i32_0, %c0_i32_1 : i32, i32, i32
  }
  func.func @transform_2(%arg0: i32) -> (i32, i32, i32) {
    %c0_i32 = arith.constant 0 : i32
    %c0_i32_0 = arith.constant 0 : i32
    %c0_i32_1 = arith.constant 0 : i32
    return %arg0, %c0_i32, %c0_i32_0 : i32, i32, i32
  }
  func.func @transform_3(%arg0: i32) -> (i32, i32, i32) {
    %c0_i32 = arith.constant 0 : i32
    %c0_i32_0 = arith.constant 0 : i32
    %c0_i32_1 = arith.constant 0 : i32
    return %arg0, %c0_i32, %c0_i32_0 : i32, i32, i32
  }
}

</mosaic_0001>

<sc_bundles>
// kernel: kernel.4.cloned.1.call-start
scs
__scs_entry_jumppad:
0x0: {  	(pc) =	sbr.rel $0x88, $3  }
0x1: {  	(tag) =	ssettag $0x0;
	lr =	simm.s32 $0x1  }
0x2: {  	[smem:$0x3F9E] =	sst lr;
	_ =	strace $0xD0000000  }
0x3: {  	_ = 	snop  }
0x4: {  	_ = 	snop  }
0x5: {  	_ = 	snop  }
0x6: {  	_ = 	snop  }
0x7: {  	_ = 	snop  }
__scs_overlays_trampoline_lowered:
0x8: {  	[smem:$0x3FAD] =	sst s0  }
0x9: {  	[smem:$0x3FAE] =	sst s1  }
0xa: {  	[smem:$0x3FAF] =	sst s2  }
0xb: {  	[smem:$0x3FB0] =	sst s3  }
0xc: {  	[smem:$0x3FB1] =	sst s4  }
0xd: {  	[smem:$0x3FB2] =	sst s5  }
0xe: {  	[smem:$0x3FB3] =	sst s6  }
0xf: {  	[smem:$0x3FB4] =	sst s7  }
0x10: {  	[smem:$0x3FB5] =	sst s8  }
0x11: {  	[smem:$0x3FB6] =	sst s9;
	s0 =	simm.s32 @!p0 $0x0  }
0x12: {  	s1 =	sld [smem:$0x3F9C];
	s0 =	simm.s32 @p0 $0x1  }
0x13: {  	[smem:$0x3FB7] =	sst s0;
	s0 =	simm.s32 @!p1 $0x0  }
0x14: {  	s2 =	sld [smem:$0x3F9B];
	s0 =	simm.s32 @p1 $0x1  }
0x15: {  	[smem:$0x3FB8] =	sst s0;
	s0 =	simm.s32 @!p2 $0x0  }
0x16: {  	s3 =	sld [smem:$0x3FDB];
	s0 =	simm.s32 @p2 $0x1  }
0x17: {  	s4 =	simm.s32 $0x1BF5;
	[smem:$0x3FBA] =	sst s0  }
0x18: {  	s0 =	sld [smem:$0x3F9D];
	_ =	swait.ge [sflag:s4], $0x0  }
0x19: {  	s7 =	sld [smem:$0x3F9E]  }
0x1a: {  	s8 =	sadd.s32 $0xFFFFE003, lr  }
0x1b: {  	s9 =	sadd.s32 $0xFFFFFEF7, lr;
	s5 =	simm.s32 $0xFFFFFFFF;
	p2 =	slt.u32 s8, $0xFFFFF086  }
0x1c: {  	p1 =	slt.u32 s9, $0xF7A;
	s5 =	simm.s32 @!p2 $0x0  }
0x1d: {  	s5 =	simm.s32 @p1 $0x1;
	p0 =	seq.s32 s7, s2  }
0x1e: {  	s7 =	smul.u32 @!p0 $0xF7A, s2;
	p2 =	seq.s32 @!p0 s5, $0x0  }
0x1f: {  	s9 =	smul.u32 $0xF7A, s1;
	s8 =	simm.s32 @!p0 $0x1BF5;
	p2 =	por !p2, p0  }
0x20: {  	[sflag:s8] =	ssyncset.s32 @!p0 $0xFFFFF086;
	s6 =	sadd.s32 @!p0 s3, s7;
	s7 =	simm.s32 @!p0 $0x108  }
0x21: {  	s3 =	sadd.s32 s3, s9;
	s6 =	sadd.s32 @!p0 $0x88, s6;
	s7 =	simm.s32 @p2 $0x1082  }
0x22: {  	[simem:s7], [sflag:s8] =	dma.local @!p0 [hbm:s6], $0xF7A  }
0x23: {  	s9 =	sor.u32 $0xD0000000, s2;
	s6 =	simm.s32 $0x108;
	_ =	swait.ge @!p0 [sflag:s8], $0x0  }
0x24: {  	s3 =	sadd.s32 $0x88, s3;
	s6 =	simm.s32 @!p1 $0x1082;
	[sflag:s4] =	ssyncset.s32 $0xFFFFF086  }
0x25: {  	[simem:s6], [sflag:s4] =	dma.local [hbm:s3], $0xF7A  }
0x26: {  	[smem:$0x3F9E] =	sst s1;
	(tag) =	ssettag s2;
	_ =	strace s9  }
0x27: {  	s1 =	sld [smem:$0x3FAE]  }
0x28: {  	s2 =	sld [smem:$0x3FAF]  }
0x29: {  	s4 =	sld [smem:$0x3FB1]  }
0x2a: {  	p0 =	seq.s32 s5, $0x0;
	s5 =	sld [smem:$0x3FB2]  }
0x2b: {  	s6 =	sld [smem:$0x3FB3]  }
0x2c: {  	s7 =	sld [smem:$0x3FB4]  }
0x2d: {  	s3 =	simm.s32 $0x108;
	s8 =	sld [smem:$0x3FB5]  }
0x2e: {  	s3 =	simm.s32 @!p0 $0x1082;
	s9 =	sld [smem:$0x3FB6]  }
0x2f: {  	lr =	sadd.s32 s0, s3;
	s0 =	sld [smem:$0x3FAD]  }
0x30: {  	s3 =	sld [smem:$0x3FB0]  }
0x31: {  	[smem:$0x3FB9] =	sst s10  }
0x32: {  	s10 =	sld [smem:$0x3FB7];
	_ =	sdelay $0x3  }
0x33: {  	p0 =	seq.s32 s10, $0x1;
	s10 =	sld [smem:$0x3FB9];
	_ =	sdelay $0x3  }
0x34: {  	[smem:$0x3FB9] =	sst s10  }
0x35: {  	s10 =	sld [smem:$0x3FB8];
	_ =	sdelay $0x3  }
0x36: {  	p1 =	seq.s32 s10, $0x1;
	s10 =	sld [smem:$0x3FB9];
	_ =	sdelay $0x3  }
0x37: {  	[smem:$0x3FB9] =	sst s10  }
0x38: {  	s10 =	sld [smem:$0x3FBA]  }
0x39: {  	_ = 	snop;
	(pc) =	sbr.ind lr, $3  }
0x3a: {  	_ = 	snop  }
0x3b: {  	_ = 	snop  }
0x3c: {  	p2 =	seq.s32 s10, $0x1;
	s10 =	sld [smem:$0x3FB9]  }
0x3d: {  	_ =	shalt  }
0x3e: {  	_ =	shalt  }
0x3f: {  	_ =	shalt  }
0x40: {  	_ =	shalt  }
0x41: {  	_ =	shalt  }
0x42: {  	_ =	shalt  }
0x43: {  	_ =	shalt  }
0x44: {  	_ =	shalt  }
0x45: {  	_ =	shalt  }
0x46: {  	_ =	shalt  }
0x47: {  	_ =	shalt  }
0x48: {  	_ =	shalt  }
0x49: {  	_ =	shalt  }
0x4a: {  	_ =	shalt  }
0x4b: {  	_ =	shalt  }
0x4c: {  	_ =	shalt  }
0x4d: {  	_ =	shalt  }
0x4e: {  	_ =	shalt  }
0x4f: {  	_ =	shalt  }
0x50: {  	_ =	shalt  }
0x51: {  	_ =	shalt  }
0x52: {  	_ =	shalt  }
0x53: {  	_ =	shalt  }
0x54: {  	_ =	shalt  }
0x55: {  	_ =	shalt  }
0x56: {  	_ =	shalt  }
0x57: {  	_ =	shalt  }
0x58: {  	_ =	shalt  }
0x59: {  	_ =	shalt  }
0x5a: {  	_ =	shalt  }
0x5b: {  	_ =	shalt  }
0x5c: {  	_ =	shalt  }
0x5d: {  	_ =	shalt  }
0x5e: {  	_ =	shalt  }
0x5f: {  	_ =	shalt  }
0x60: {  	_ =	shalt  }
0x61: {  	_ =	shalt  }
0x62: {  	_ =	shalt  }
0x63: {  	_ =	shalt  }
0x64: {  	_ =	shalt  }
0x65: {  	_ =	shalt  }
0x66: {  	_ =	shalt  }
0x67: {  	_ =	shalt  }
0x68: {  	_ =	shalt  }
0x69: {  	_ =	shalt  }
0x6a: {  	_ =	shalt  }
0x6b: {  	_ =	shalt  }
0x6c: {  	_ =	shalt  }
0x6d: {  	_ =	shalt  }
0x6e: {  	_ =	shalt  }
0x6f: {  	_ =	shalt  }
0x70: {  	_ =	shalt  }
0x71: {  	_ =	shalt  }
0x72: {  	_ =	shalt  }
0x73: {  	_ =	shalt  }
0x74: {  	_ =	shalt  }
0x75: {  	_ =	shalt  }
0x76: {  	_ =	shalt  }
0x77: {  	_ =	shalt  }
0x78: {  	_ =	shalt  }
0x79: {  	_ =	shalt  }
0x7a: {  	_ =	shalt  }
0x7b: {  	_ =	shalt  }
0x7c: {  	_ =	shalt  }
0x7d: {  	_ =	shalt  }
0x7e: {  	_ =	shalt  }
0x7f: {  	_ =	shalt  }
0x80: {  	_ =	shalt  }
0x81: {  	_ =	shalt  }
0x82: {  	_ =	shalt  }
0x83: {  	_ =	shalt  }
0x84: {  	_ =	shalt  }
0x85: {  	_ =	shalt  }
0x86: {  	_ =	shalt  }
0x87: {  	_ =	shalt  }
.Lfunc_end0:
.L_simem_size_0:
called_computation_lowered:
.L_overlay_start_0:
0x88: {  	s2 =	sld [smem:$0x3FD9]  }
0x89: {  	s3 =	sld [smem:$0x3FFE];
	_ =	sdelay $0x1  }
0x8a: {  	s1 =	srdreg.scid  }
0x8b: {  	s0 =	sand.u32 $0x1, s1  }
0x8c: {  	s17 =	sshll.u32 s0, $0xA;
	s2 =	sadd.s32 s3, s2  }
0x8d: {  	s2 =	sadd.s32 s2, s17  }
0x8e: {  	[smem:$0x3FC5] =	sst s2  }
0x8f: {  	_ = 	snop  }
0x90: {  	s2 =	sld [smem:$0x3FD0];
	(tm) =	ssettm $0x1  }
0x91: {  	s18 =	sld [smem:$0x3FFB];
	_ =	sdelay $0x3  }
0x92: {  	_ =	strace s18  }
0x93: {  	s3 =	sld [smem:$0x3FFC];
	_ =	sdelay $0x3  }
0x94: {  	_ =	strace s3  }
0x95: {  	s3 =	sld [smem:$0x3FFD];
	_ =	sdelay $0x3  }
0x96: {  	_ =	strace s3  }
0x97: {  	_ =	strace $0x8FFFFFFF  }
0x98: {  	s19 =	sld [smem:$0x3FDB];
	_ =	sdelay $0x1  }
0x99: {  	s4 =	simm.s32 $_scs_section_size  }
0x9a: {  	s5 =	simm.s32 $_size__tile_overlayer_lowered;
	s6 =	simm.s32 $_tile_overlayer_lowered  }
0x9b: {  	s22 =	simm.s32 $0x1BFF;
	s21 =	sshll.u32 s6, $0x1;
	s3 =	sadd.s32 s4, s19  }
0x9c: {  	s7 =	simm.s32 $0x0;
	s20 =	sshll.u32 s5, $0x1;
	s5 =	sadd.s32 s21, s3  }
0x9d: {  	[timem:s7], [sflag:s22] =	dma.local [hbm:s5], s20  }
0x9e: {  	_ =	swait.ge [sflag:s22], s20  }
0x9f: {  	s4 =	ssub.s32 $0x0, s20;
	[sflag:s22] =	ssyncset.done $0x0  }
0xa0: {  	[sflag:s22] =	ssyncadd.s32 s4;
	_ =	sdelay $0x1  }
0xa1: {  	s23 =	simm.s32 $0x1B8B  }
0xa2: {  	_ =	swait.ge [sflag:s23], $0x1  }
0xa3: {  	[sflag:s23] =	ssyncset.done $0x0  }
0xa4: {  	s25 =	simm.s32 $0x1B8E;
	s24 =	sld [smem:$0x3FFE];
	[sflag:s23] =	ssyncadd.s32 $0xFFFFFFFF  }
0xa5: {  	s26 =	simm.s32 $execute0_lowered;
	[smem:$0x3FD2] =	sst s25  }
0xa6: {  	s5 =	sshll.u32 s26, $0x1;
	_ =	strace $0x80000046;
	[dreg:$0x1] =	wrdreg $0xFFFFFFFF  }
0xa7: {  	s28 =	simm.s32 $_size_execute0_lowered;
	s3 =	sadd.s32 s3, s5;
	[dreg:$0x0] =	wrdreg $0x0  }
0xa8: {  	s5 =	sshll.u32 s28, $0x1;
	[dreg:$0x2] =	wrdreg s3  }
0xa9: {  	[dreg:$0x3] =	wrdreg s5  }
0xaa: {  	[dreg:$0x4] =	wrdreg $0xC0  }
0xab: {  	_ =	task [dreg:s7], $0x5FFFF  }
0xac: {  	[dreg:$0x1] =	wrdreg $0xFFFFFFFF  }
0xad: {  	[dreg:$0x0] =	wrdreg $0x60  }
0xae: {  	[dreg:$0x2] =	wrdreg s24  }
0xaf: {  	[dreg:$0x3] =	wrdreg s2  }
0xb0: {  	[dreg:$0x4] =	wrdreg $0x9  }
0xb1: {  	_ =	task.clear_ibuf [dreg:s7], $0x5FFFF;
	_ =	strace $0x90000046  }
0xb2: {  	s29 =	simm.s32 $0x9;
	_ =	strace $0x80000048  }
0xb3: {  	_ =	swait.ge [sflag:s29], $0x1  }
0xb4: {  	[sflag:s29] =	ssyncadd.s32 $0xFFFFFFFF  }
0xb5: {  	_ =	strace $0x90000048  }
0xb6: {  	_ =	sfence  }
0xb7: {  	s30 =	sld [smem:$0x0];
	_ =	sdelay $0x2  }
0xb8: {  	s31 =	sshll.u32 s1, $0xD;
	s1 =	sshrl.u32 s1, $0x2  }
0xb9: {  	s3 =	sand.u32 $0x4000, s31;
	s1 =	sadd.s32 s1, s30  }
0xba: {  	s0 =	sor.u32 s3, s0;
	s1 =	sshll.u32 s1, $0x11  }
0xbb: {  	s0 =	sor.u32 s1, s0  }
0xbc: {  	s0 =	sadd.s32 $0x8F2B, s0  }
0xbd: {  	[sflag:s0] =	ssyncadd.remote.s32 $0x1  }
0xbe: {  	_ =	sfence.sel $0xFFFF  }
0xbf: {  	[dreg:$0x0] =	wrdreg $0xFFFFFFFF;
	(pc) =	sbr.abs _section_cstart, $3  }
0xc0: {  	[dreg:$0x1] =	wrdreg $0xFFFFFFFF  }
0xc1: {  	_ =	task.clear_ibuf [dreg:s7], $0x2FFFF;
	_ =	strace $0x9FFFFFFF  }
0xc2: {  	(tm) =	ssettm $0x7FFFFFFF  }
0xc3: {  	_ =	shalt  }
tec
execute0_lowered:
.L_overlay_start_1:
0x0: {  	(tag) =	ssettag $0x1  }
0x1: {  	s4 =	rddreg [dreg:$0x0]  }
0x2: {  	s2 =	rddreg [dreg:$0x1];
	s3 =	srdreg.scid  }
0x3: {  	s0 =	rddreg [dreg:$0x2];
	s1 =	stileid.u32;
	s9 =	simm.s32 $0xC00  }
0x4: {  	s10 =	simm.s32 $0x1;
	s11 =	simm.s32 $0xC80;
	s12 =	simm.s32 $0x400  }
0x5: {  	s13 =	simm.s32 $0x800;
	s14 =	simm.s32 $0x0;
	s5 =	sand.u32 $0x1, s3  }
0x6: {  	s3 =	simm.s32 $0x0;
	s6 =	sshll.u32 s1, $0x8;
	s7 =	sshll.u32 s5, $0x7  }
0x7: {  	[smem:$0x7FF] =	sst s3;
	s5 =	ssub.s32 $0x2, s5;
	s6 =	sor.u32 s7, s6  }
0x8: {  	_ =	strace $0x80000047;
	s31 =	sshrl.u32 s5, $0x1;
	s7 =	sadd.s32 s6, s4  }
0x9: {  	s4 =	sadd.s32 $0x1A00, s4;
	s8 =	ssub.s32 s5, s31;
	s5 =	sadd.s32 $0xA00, s7  }
0xa: {  	s6 =	sadd.s32 $0x1C00, s7;
	s7 =	sadd.s32 $0x2C00, s7;
	s8 =	smax.u32 s8, $0x1  }
.LBB2_1:
0xb: {  	[tilespmem:s9], [sflag:$0x1] =	stream.linear.gather [hbm4b:s2+s3], $0x80, $0x38;
	[tilespmem:$0xD00] =	vst v63  }
0xc: {  	_ =	swait.ge [sflag:s10], $0x80  }
0xd: {  	[sflag:s10] =	ssyncset.done $0x0  }
0xe: {  	[sflag:s10] =	ssyncadd.s32 $0xFFFFFF80  }
0xf: {  	[tilespmem:s11], [sflag:$0x1] =	stream.linear.gather [hbm4b:s4+s3], $0x80, $0x38;
	[tilespmem:$0xD00] =	vst v63  }
0x10: {  	_ =	swait.ge [sflag:s10], $0x80  }
0x11: {  	[sflag:s10] =	ssyncset.done $0x0  }
0x12: {  	[sflag:s10] =	ssyncadd.s32 $0xFFFFFF80  }
0x13: {  	[tilespmem:s3], [sflag:$0x1] =	stream.linear.gather [hbm4b:s5+s3], $0x400, $0x38;
	[tilespmem:$0xD00] =	vst v63  }
0x14: {  	_ =	swait.ge [sflag:s10], $0x400  }
0x15: {  	[sflag:s10] =	ssyncset.done $0x0  }
0x16: {  	s15 =	simm.s32 $0x0;
	[sflag:s10] =	ssyncadd.s32 $0xFFFFFC00  }
0x17: {  	v1 =	vld [tilespmem:s15+$0x10]  }
0x18: {  	v3 =	vld [tilespmem:s15+$0x0];
	_ =	sdelay $0x4  }
0x19: {  	v4 =	vld [tilespmem:$0xCC0];
	v0 =	vshrl.u32 v1, $0x4;
	v2 =	vand.u32 $0xF, v3;
	v5 =	vshrl.u32 v3, $0x4  }
0x1a: {  	v3 =	vld [tilespmem:$0xCA0];
	vm5 =	veq.s32 v5, $0x0;
	vm0 =	veq.s32 v5, $0x2;
	vm4 =	veq.s32 v5, $0x1  }
0x1b: {  	s16 =	simm.s32 $0x80;
	vm1 =	veq.s32 v5, $0x3;
	vm2 =	veq.s32 v5, $0x4;
	vm3 =	veq.s32 v5, $0x5;
	v5 =	vld [tilespmem:$0xCB0]  }
.LBB2_2:
0x1c: {  	p0 =	sne.s32 s16, $0xF80;
	v6 =	vld [tilespmem:$0xCD0];
	s17 =	smov.u32 s16;
	s16 =	sadd.s32 $0x80, s16  }
0x1d: {  	v7 =	vld [tilespmem:$0xC90]  }
0x1e: {  	v8 =	vld [tilespmem:$0xC80];
	v4 =	vperm.xlane v4, v2  }
0x1f: {  	v9 =	vld [tilespmem:$0xC00]  }
0x20: {  	v10 =	vld [tilespmem:$0xC10];
	v5 =	vperm.xlane v5, v2  }
0x21: {  	v3 =	vperm.xlane v3, v2;
	v11 =	vld [tilespmem:$0xC20];
	v6 =	vperm.xlane v6, v2  }
0x22: {  	v12 =	vld [tilespmem:$0xC30]  }
0x23: {  	v8 =	vperm.xlane v8, v2;
	v13 =	vld [tilespmem:$0xC40]  }
0x24: {  	v7 =	vperm.xlane v7, v2;
	v9 =	vperm.xlane v9, v2;
	v14 =	vld [tilespmem:$0xC50]  }
0x25: {  	v8 =	vnsel vm5, $0x0, v8;
	v10 =	vperm.xlane v10, v2  }
0x26: {  	v9 =	vnsel vm5, $0x0, v9;
	v7 =	vsel vm4, v7, v8;
	v8 =	vperm.xlane v11, v2  }
0x27: {  	s17 =	sshra.s32 s17, $0x2;
	v9 =	vsel vm4, v10, v9;
	v3 =	vsel vm0, v3, v7;
	v7 =	vperm.xlane v12, v2  }
0x28: {  	v10 =	vld [tilespmem:s17+$0x10];
	v8 =	vsel vm0, v8, v9;
	v3 =	vsel vm1, v5, v3;
	v5 =	vperm.xlane v13, v2  }
0x29: {  	v7 =	vsel vm1, v7, v8;
	v3 =	vsel vm2, v4, v3;
	v2 =	vperm.xlane v14, v2  }
0x2a: {  	v4 =	vsel vm2, v5, v7;
	v3 =	vsel vm3, v6, v3  }
0x2b: {  	v2 =	vsel vm3, v2, v4;
	[tilespmem:s15+$0x800] =	vst v3  }
0x2c: {  	v3 =	vld [tilespmem:s17+$0x0];
	[tilespmem:s15+$0x400] =	vst v2  }
0x2d: {  	v4 =	vshrl.u32 v10, $0x4;
	v5 =	vld [tilespmem:$0xC00]  }
0x2e: {  	v6 =	vld [tilespmem:$0xC80]  }
0x2f: {  	v7 =	vld [tilespmem:$0xCA0]  }
0x30: {  	v8 =	vld [tilespmem:$0xC20]  }
0x31: {  	v9 =	vand.u32 $0xF, v1;
	v1 =	vmov v10;
	v2 =	vand.u32 $0xF, v3;
	v11 =	vld [tilespmem:$0xCD0]  }
0x32: {  	vm2 =	veq.s32 v0, $0x0;
	v3 =	vshrl.u32 v3, $0x4;
	v5 =	vperm.xlane v5, v9;
	v10 =	vld [tilespmem:$0xCC0]  }
0x33: {  	vm5 =	veq.s32 v3, $0x0;
	vm0 =	veq.s32 v3, $0x2;
	v6 =	vperm.xlane v6, v9;
	v12 =	vld [tilespmem:$0xC90]  }
0x34: {  	vm4 =	veq.s32 v3, $0x1;
	v5 =	vnsel vm2, $0x0, v5;
	v13 =	vld [tilespmem:$0xC10]  }
0x35: {  	vm1 =	veq.s32 v3, $0x3;
	v7 =	vperm.xlane v7, v9;
	v6 =	vnsel vm2, $0x0, v6;
	v14 =	vld [tilespmem:$0xCB0]  }
0x36: {  	vm7 =	veq.s32 v0, $0x4;
	vm6 =	veq.s32 v0, $0x5;
	v15 =	vld [tilespmem:$0xC30]  }
0x37: {  	vm8 =	veq.s32 v0, $0x2;
	vm9 =	veq.s32 v0, $0x3;
	vm2 =	veq.s32 v3, $0x4;
	v16 =	vld [tilespmem:$0xC40]  }
0x38: {  	vm3 =	veq.s32 v3, $0x5;
	v11 =	vperm.xlane v11, v9;
	v3 =	vperm.xlane v12, v9;
	v12 =	vld [tilespmem:$0xC50]  }
0x39: {  	vm10 =	veq.s32 v0, $0x1;
	v0 =	vmovc v4;
	v10 =	vperm.xlane v10, v9;
	v13 =	vperm.xlane v13, v9  }
0x3a: {  	v4 =	vperm.xlane v8, v9;
	v3 =	vsel vm10, v3, v6;
	v6 =	vperm.xlane v14, v9  }
0x3b: {  	v5 =	vsel vm10, v13, v5;
	v3 =	vsel vm8, v7, v3;
	v7 =	vperm.xlane v15, v9  }
0x3c: {  	v4 =	vsel vm8, v4, v5;
	v3 =	vsel vm9, v6, v3;
	v5 =	vperm.xlane v16, v9  }
0x3d: {  	v4 =	vsel vm9, v7, v4;
	v3 =	vsel vm7, v10, v3;
	v6 =	vperm.xlane v12, v9  }
0x3e: {  	v4 =	vsel vm7, v5, v4;
	v3 =	vsel vm6, v11, v3  }
.Ltmp0:
0x3f: {  	v4 =	vsel vm6, v6, v4;
	[tilespmem:s15+$0x810] =	vst v3;
	(pc) =	sbr.rel @p0 .LBB2_2-.Ltmp0, $4  }
0x40: {  	[tilespmem:s15+$0x410] =	vst v4;
	s15 =	smov.u32 s17  }
0x41: {  	v4 =	vld [tilespmem:$0xCC0]  }
0x42: {  	v3 =	vld [tilespmem:$0xCA0]  }
0x43: {  	v5 =	vld [tilespmem:$0xCB0]  }
0x44: {  	v6 =	vld [tilespmem:$0xCD0]  }
0x45: {  	v7 =	vld [tilespmem:$0xC90]  }
0x46: {  	v8 =	vld [tilespmem:$0xC80]  }
0x47: {  	v9 =	vld [tilespmem:$0xC00]  }
0x48: {  	v10 =	vld [tilespmem:$0xC10]  }
0x49: {  	v11 =	vld [tilespmem:$0xC20]  }
0x4a: {  	v12 =	vld [tilespmem:$0xC30];
	v4 =	vperm.xlane v4, v2;
	v3 =	vperm.xlane v3, v2  }
0x4b: {  	v13 =	vld [tilespmem:$0xC40];
	v5 =	vperm.xlane v5, v2;
	v8 =	vperm.xlane v8, v2  }
0x4c: {  	v14 =	vld [tilespmem:$0xC50];
	v9 =	vperm.xlane v9, v2;
	v7 =	vperm.xlane v7, v2  }
0x4d: {  	v6 =	vperm.xlane v6, v2;
	v10 =	vperm.xlane v10, v2;
	v8 =	vnsel vm5, $0x0, v8  }
0x4e: {  	v45 =	vperm.xlane v11, v2;
	v9 =	vnsel vm5, $0x0, v9;
	v7 =	vsel vm4, v7, v8  }
0x4f: {  	v46 =	vperm.xlane v12, v2;
	v9 =	vsel vm4, v10, v9;
	v3 =	vsel vm0, v3, v7  }
0x50: {  	v47 =	vperm.xlane v13, v2;
	v8 =	vsel vm0, v45, v9;
	v3 =	vsel vm1, v5, v3  }
0x51: {  	v48 =	vperm.xlane v14, v2;
	v7 =	vsel vm1, v46, v8;
	v3 =	vsel vm2, v4, v3  }
0x52: {  	v49 =	vsel vm2, v47, v7;
	v3 =	vsel vm3, v6, v3  }
0x53: {  	v2 =	vsel vm3, v48, v49;
	[tilespmem:s15+$0x800] =	vst v3  }
0x54: {  	[tilespmem:s15+$0x400] =	vst v2  }
0x55: {  	v2 =	vld [tilespmem:$0xC00]  }
0x56: {  	v3 =	vld [tilespmem:$0xC80]  }
0x57: {  	v50 =	vld [tilespmem:$0xCA0]  }
0x58: {  	v51 =	vld [tilespmem:$0xC20]  }
0x59: {  	v52 =	vld [tilespmem:$0xCD0]  }
0x5a: {  	v54 =	vld [tilespmem:$0xC90]  }
0x5b: {  	v55 =	vld [tilespmem:$0xC10]  }
0x5c: {  	v1 =	vand.u32 $0xF, v1;
	v53 =	vld [tilespmem:$0xCC0]  }
0x5d: {  	vm10 =	veq.s32 v0, $0x0;
	vm11 =	veq.s32 v0, $0x4;
	vm12 =	veq.s32 v0, $0x5;
	v56 =	vld [tilespmem:$0xCB0]  }
0x5e: {  	vm13 =	veq.s32 v0, $0x2;
	v57 =	vld [tilespmem:$0xC30];
	v2 =	vperm.xlane v2, v1;
	v3 =	vperm.xlane v3, v1  }
0x5f: {  	vm14 =	veq.s32 v0, $0x3;
	v58 =	vld [tilespmem:$0xC40];
	v4 =	vperm.xlane v50, v1;
	v8 =	vperm.xlane v54, v1  }
0x60: {  	vm15 =	veq.s32 v0, $0x1;
	v59 =	vld [tilespmem:$0xC50];
	v6 =	vperm.xlane v52, v1;
	v9 =	vperm.xlane v55, v1  }
0x61: {  	v60 =	vperm.xlane v53, v1;
	v5 =	vperm.xlane v51, v1;
	v3 =	vnsel vm10, $0x0, v3  }
0x62: {  	v61 =	vperm.xlane v56, v1;
	v2 =	vnsel vm10, $0x0, v2;
	v3 =	vsel vm15, v8, v3  }
0x63: {  	v62 =	vperm.xlane v57, v1;
	v2 =	vsel vm15, v9, v2;
	v3 =	vsel vm13, v4, v3  }
0x64: {  	v63 =	vperm.xlane v58, v1;
	v2 =	vsel vm13, v5, v2;
	v3 =	vsel vm14, v61, v3  }
0x65: {  	v1 =	vperm.xlane v59, v1;
	v2 =	vsel vm14, v62, v2;
	v0 =	vsel vm11, v60, v3  }
0x66: {  	v2 =	vsel vm11, v63, v2;
	v0 =	vsel vm12, v6, v0  }
0x67: {  	v1 =	vsel vm12, v1, v2;
	[tilespmem:s15+$0x810] =	vst v0  }
0x68: {  	[tilespmem:s15+$0x410] =	vst v1  }
0x69: {  	[hbm4b:s6+s3] =	stream.linear.scatter [tilespmem:s12], [sflag:$0x1], $0x400, $0x38;
	[tilespmem:$0xD00] =	vst v63  }
0x6a: {  	s14 =	sadd.s32 $0x1, s14;
	_ =	swait.ge [sflag:s10], $0x400  }
0x6b: {  	p0 =	sne.s32 s14, s8;
	[sflag:s10] =	ssyncset.done $0x0  }
.Ltmp1:
0x6c: {  	[sflag:s10] =	ssyncadd.s32 $0xFFFFFC00;
	(pc) =	sbr.rel @p0 .LBB2_1-.Ltmp1, $4  }
0x6d: {  	[hbm4b:s7+s3] =	stream.linear.scatter [tilespmem:s13], [sflag:$0x1], $0x400, $0x38;
	[tilespmem:$0xD00] =	vst v63  }
0x6e: {  	_ =	swait.ge [sflag:s10], $0x400  }
0x6f: {  	[sflag:s10] =	ssyncset.done $0x0  }
0x70: {  	[sflag:s10] =	ssyncadd.s32 $0xFFFFFC00  }
0x71: {  	_ =	sfence.sel $0x180000  }
0x72: {  	[bflag:$0x0] =	sbarrier.arrive $0xFFFF  }
0x73: {  	p0 =	sne.s32 s1, $0x0;
	_ =	strace $0x90000047  }
0x74: {  	s0 =	sadd.s32 @!p0 $0x100000, s0;
	[bflag:$0x2] =	sbarrier.arrive $0xFFFF  }
0x75: {  	[sflag:s0] =	ssyncadd.tile.s32 @!p0 $0x1;
	_ =	shalt  }
.Lfunc_end2:
_tile_overlayer_lowered:
.L_overlay_start_2:
0x76: {  	(tag) =	ssettag $0x2  }
0x77: {  	s0 =	rddreg [dreg:$0x0];
	s2 =	stileid.u32  }
0x78: {  	s1 =	rddreg [dreg:$0x1];
	p0 =	sne.s32 s2, $0x0  }
0x79: {  	s3 =	rddreg [dreg:$0x2];
	[bflag:$0x3] =	sbarrier.arrive $0xFFFF;
	s2 =	simm.s32 @!p0 $0x1C01  }
0x7a: {  	[timem:s3], [sflag:s2] =	dma.local @!p0 [hbm:s0], s1  }
0x7b: {  	s0 =	simm.s32 @!p0 $0x1  }
0x7c: {  	_ =	swait.ge @!p0 [sflag:s0], s1  }
0x7d: {  	s1 =	ssub.s32 @!p0 $0x0, s1;
	[sflag:s0] =	ssyncset.done @!p0 $0x0  }
0x7e: {  	[sflag:s0] =	ssyncadd.s32 @!p0 s1  }
0x7f: {  	[bflag:$0x3] =	sbarrier.arrive $0xFFFF  }
0x80: {  	_ =	shalt  }

</sc_bundles>
